<compile_context>
chip_gen: v7x
topology: tpu7x:2x2x1
jax: 0.10.2.dev20260603
libtpu: 0.0.44.dev20260713+nightly
codegen_flags: <defaults>
</compile_context>

<pallas_src>
import dataclasses
import functools

import jax
import jax.numpy as jnp
from jax import lax
from jax.experimental import pallas as pl
from jax.experimental.pallas import tpu as pltpu
from jax.experimental.pallas import tpu_sc as plsc

N_NODES = 10000
N_EDGES = 320000
D_FEAT = 128
DH = D_FEAT // 2

NC = 2
NS = 16
CHUNK = 128
E_TILE = N_EDGES // NS
K = E_TILE // CHUNK
TAIL = E_TILE - K * CHUNK
N_PAD = 10240
ROWS_PER_SUB = N_PAD // NS


def _sc_segment_sum(x, e2):
    mesh = plsc.VectorSubcoreMesh(core_axis_name="c", subcore_axis_name="s",
                                  num_cores=NC, num_subcores=NS)

    @functools.partial(
        pl.kernel,
        out_type=(
            jax.ShapeDtypeStruct((NC, N_PAD, DH), jnp.float32),
            jax.ShapeDtypeStruct((NS, N_PAD), jnp.float32),
        ),
        mesh=mesh,
        scratch_types=[
            pltpu.VMEM_SHARED((N_PAD, DH), jnp.float32),
            pltpu.VMEM_SHARED((N_PAD, DH), jnp.float32),
            pltpu.VMEM((2, CHUNK), jnp.int32),
            pltpu.VMEM((2, CHUNK), jnp.int32),
            pltpu.VMEM((2, CHUNK), jnp.int32),
            pltpu.VMEM((2, CHUNK), jnp.int32),
            pltpu.VMEM((CHUNK, DH), jnp.float32),
            pltpu.VMEM((CHUNK, DH), jnp.float32),
            pltpu.VMEM((N_PAD,), jnp.float32),
            pltpu.SemaphoreType.DMA,
            pltpu.SemaphoreType.DMA,
            pltpu.SemaphoreType.DMA,
            pltpu.SemaphoreType.DMA,
            pltpu.SemaphoreType.DMA,
            pltpu.SemaphoreType.DMA,
        ],
        compiler_params=dataclasses.replace(
            pltpu.CompilerParams(), needs_layout_passes=False,
            use_tc_tiling_on_sc=False),
    )
    def k(x_hbm, e_hbm, acc_hbm, cnt_hbm, xc_sh, acc_sh,
          i0, i1, i2, i3, rows0, rows1, cnt_l,
          si0, si1, si2, si3, sg0, sg1):
        c = lax.axis_index("c")
        s = lax.axis_index("s")
        idxs = [i0, i1, i2, i3]
        isems = [si0, si1, si2, si3]
        rows = [rows0, rows1]
        gsems = [sg0, sg1]
        ebase = s * E_TILE
        col = c * DH

        @pl.when(s < NS - 1)
        def _():
            pltpu.sync_copy(
                x_hbm.at[pl.ds(s * 640, 640), pl.ds(col, DH)],
                xc_sh.at[pl.ds(s * 640, 640)])

        @pl.when(s == NS - 1)
        def _():
            pltpu.sync_copy(
                x_hbm.at[pl.ds(9600, 400), pl.ds(col, DH)],
                xc_sh.at[pl.ds(9600, 400)])

        @pl.loop(0, CHUNK)
        def _(r):
            @pl.loop(0, DH, step=16)
            def _(j):
                rows0[r, pl.ds(j, 16)] = jnp.zeros((16,), jnp.float32)

        @pl.loop(0, N_PAD, step=16)
        def _(r):
            cnt_l[pl.ds(r, 16)] = jnp.zeros((16,), jnp.float32)

        base = s * ROWS_PER_SUB
        for b in range(ROWS_PER_SUB // CHUNK):
            pltpu.sync_copy(rows0, acc_sh.at[pl.ds(base + b * CHUNK, CHUNK)])
        plsc.subcore_barrier()

        ones16 = jnp.ones((16,), jnp.float32)

        def load_idx(j, ib, sem):
            off = ebase + j * CHUNK
            pltpu.async_copy(e_hbm.at[0, pl.ds(off, CHUNK)], ib.at[0], sem)
            pltpu.async_copy(e_hbm.at[1, pl.ds(off, CHUNK)], ib.at[1], sem)

        def wait_idx(ib, sem):
            pltpu.make_async_copy(e_hbm.at[0, pl.ds(0, CHUNK)], ib.at[0],
                                  sem).wait()
            pltpu.make_async_copy(e_hbm.at[1, pl.ds(0, CHUNK)], ib.at[1],
                                  sem).wait()

        load_idx(0, i0, si0)
        load_idx(1, i1, si1)
        wait_idx(i0, si0)
        pltpu.async_copy(xc_sh.at[i0.at[0]], rows0, sg0)

        @pl.loop(0, K, step=4)
        def _(c0):
            for i in range(4):
                cc = c0 + i
                ib = idxs[i]
                rb = rows[i % 2]

                @pl.when(cc + 2 < K)
                def _():
                    load_idx(cc + 2, idxs[(i + 2) % 4], isems[(i + 2) % 4])

                pltpu.make_async_copy(xc_sh.at[ib.at[0]], rb,
                                      gsems[i % 2]).wait()

                @pl.when(cc + 1 < K)
                def _():
                    wait_idx(idxs[(i + 1) % 4], isems[(i + 1) % 4])
                    pltpu.async_copy(xc_sh.at[idxs[(i + 1) % 4].at[0]],
                                     rows[(i + 1) % 2], gsems[(i + 1) % 2])

                pltpu.sync_copy(rb, acc_sh.at[ib.at[1]], add=True)

                @pl.when(c == 0)
                def _():
                    @pl.loop(0, CHUNK, step=16)
                    def _(t):
                        plsc.addupdate_scatter(cnt_l, [ib[1, pl.ds(t, 16)]],
                                               ones16)

        toff = ebase + K * CHUNK
        pltpu.sync_copy(e_hbm.at[0, pl.ds(toff, TAIL)],
                        i0.at[0, pl.ds(0, TAIL)])
        pltpu.sync_copy(e_hbm.at[1, pl.ds(toff, TAIL)],
                        i0.at[1, pl.ds(0, TAIL)])

        @pl.loop(TAIL, CHUNK, step=16)
        def _(t):
            i0[0, pl.ds(t, 16)] = jnp.zeros((16,), jnp.int32)
            i0[1, pl.ds(t, 16)] = jnp.full((16,), N_NODES, jnp.int32)

        pltpu.sync_copy(xc_sh.at[i0.at[0]], rows0)
        pltpu.sync_copy(rows0, acc_sh.at[i0.at[1]], add=True)

        @pl.when(c == 0)
        def _():
            @pl.loop(0, TAIL, step=16)
            def _(t):
                plsc.addupdate_scatter(cnt_l, [i0[1, pl.ds(t, 16)]], ones16)

        plsc.subcore_barrier()

        pltpu.sync_copy(acc_sh.at[pl.ds(base, ROWS_PER_SUB)],
                        acc_hbm.at[c, pl.ds(base, ROWS_PER_SUB)])

        @pl.when(c == 0)
        def _():
            pltpu.sync_copy(cnt_l, cnt_hbm.at[s])

    return k(x, e2)


def _combine_body(x_ref, a_ref, c_ref, o_ref):
    xb = x_ref[...]
    inv = 1.0 / (jnp.sum(c_ref[...], axis=1, keepdims=True) + 1.0)
    o_ref[:, :D_FEAT] = xb
    o_ref[:, D_FEAT:D_FEAT + DH] = (a_ref[0] + xb[:, :DH]) * inv
    o_ref[:, D_FEAT + DH:] = (a_ref[1] + xb[:, DH:]) * inv


def _tc_combine(x, acc, cnt):
    blk = 1000
    return pl.pallas_call(
        _combine_body,
        out_shape=jax.ShapeDtypeStruct((N_NODES, 2 * D_FEAT), jnp.float32),
        grid=(N_NODES // blk,),
        in_specs=[
            pl.BlockSpec((blk, D_FEAT), lambda i: (i, 0)),
            pl.BlockSpec((NC, blk, DH), lambda i: (0, i, 0)),
            pl.BlockSpec((blk, NS), lambda i: (i, 0)),
        ],
        out_specs=pl.BlockSpec((blk, 2 * D_FEAT), lambda i: (i, 0)),
    )(x, acc, cnt)


def kernel(x, edge_index):
    e2 = edge_index.astype(jnp.int32)
    acc, cnt = _sc_segment_sum(x, e2)
    return _tc_combine(x, acc, cnt.T)

# --- scband reference (transcript-rebuilt; emitter-appended) ---
"""Pipeline reference for scband-node-graph-neighbourhood-7060926234625 (READ-ONLY COPY).

The authoritative reference and input builder live on the scoring server;
editing this copy changes nothing except your own understanding.
"""

import jax, jax.numpy as jnp
import numpy as np

N_NODES = 10000
N_EDGES = 320000
D_FEAT = 128


def setup_inputs(seed: int = 0) -> dict:
    key = jax.random.key(seed)
    kx, ke = jax.random.split(key, 2)
    x = jax.random.normal(kx, (N_NODES, D_FEAT), dtype=jnp.float32)
    edge_index = jax.random.randint(ke, (2, N_EDGES), 0, N_NODES, dtype=jnp.int64)
    return {"x": x, "edge_index": edge_index}


def reference(x, edge_index):
    # NodeGraphNeighbourhood with standard_node_traversal(depth=1) and a mean reducer.
    # For each node i, the neighbourhood is {i} U adjacency[i]; the reducer averages
    # node features over that neighbourhood, and the result is concatenated onto the
    # original node tensor along the feature axis.
    # adjacency is represented as edge_index: edge e connects neighbor src[e] to
    # center node dst[e] (i.e. src[e] in adjacency[dst[e]]).
    src = edge_index[0]
    dst = edge_index[1]
    n = x.shape[0]
    gathered = jnp.take(x, src, axis=0)                      # gather neighbor feats  [E, d]
    neigh_sum = jax.ops.segment_sum(gathered, dst, num_segments=n)  # scatter-add      [N, d]
    ones = jnp.ones((src.shape[0],), dtype=x.dtype)
    deg = jax.ops.segment_sum(ones, dst, num_segments=n)     # neighbor counts        [N]
    # include_self=True: add the node's own features and count itself
    total_sum = neigh_sum + x
    total_cnt = deg + 1.0
    reduced = total_sum / total_cnt[:, None]
    out = jnp.concatenate([x, reduced], axis=1)              # graph._node_tensor cat  [N, 2d]
    return out

if __name__ == "__main__":
    import jax
    _d = setup_inputs()
    print(jax.jit(kernel)(*tuple(_d.values())))

</pallas_src>

<mosaic_0001>
#map = affine_map<(d0, d1) -> (0, 0)>
#map1 = affine_map<(d0, d1) -> (0, 0, 0)>
module attributes {stable_mosaic.version = 14 : i64} {
  func.func @k(%arg0: i32, %arg1: i32, %arg2: memref<10000x128xf32, #tpu.memory_space<hbm>>, %arg3: memref<2x320000xi32, #tpu.memory_space<hbm>>, %arg4: memref<2x10240x64xf32, #tpu.memory_space<hbm>>, %arg5: memref<16x10240xf32, #tpu.memory_space<hbm>>, %arg6: memref<10240x64xf32, #tpu.memory_space<vmem_shared>>, %arg7: memref<10240x64xf32, #tpu.memory_space<vmem_shared>>, %arg8: memref<2x128xi32, #tpu.memory_space<vmem>>, %arg9: memref<2x128xi32, #tpu.memory_space<vmem>>, %arg10: memref<2x128xi32, #tpu.memory_space<vmem>>, %arg11: memref<2x128xi32, #tpu.memory_space<vmem>>, %arg12: memref<128x64xf32, #tpu.memory_space<vmem>>, %arg13: memref<128x64xf32, #tpu.memory_space<vmem>>, %arg14: memref<10240xf32, #tpu.memory_space<vmem>>, %arg15: memref<!tpu.dma_semaphore, #tpu.memory_space<semaphore_mem>>, %arg16: memref<!tpu.dma_semaphore, #tpu.memory_space<semaphore_mem>>, %arg17: memref<!tpu.dma_semaphore, #tpu.memory_space<semaphore_mem>>, %arg18: memref<!tpu.dma_semaphore, #tpu.memory_space<semaphore_mem>>, %arg19: memref<!tpu.dma_semaphore, #tpu.memory_space<semaphore_mem>>, %arg20: memref<!tpu.dma_semaphore, #tpu.memory_space<semaphore_mem>>) attributes {dimension_semantics = [#tpu.dimension_semantics<core_parallel>, #tpu.dimension_semantics<subcore_parallel>], iteration_bounds = array<i64: 2, 16>, scalar_prefetch = 0 : i64, scratch_operands = 15 : i64, tpu.core_type = #tpu.core_type<sc_vector_subcore>, window_params = [{transform_indices = #map}, {transform_indices = #map}, {transform_indices = #map1}, {transform_indices = #map}]} {
    %mul3A = arith.constant 20000 : i32
    %mul3A_0 = arith.muli %arg1, %mul3A : i32
    %mul3A_1 = arith.constant 64 : i32
    %mul3A_2 = arith.muli %arg0, %mul3A_1 : i32
    %lt3A = arith.constant 15 : i32
    %lt3A_3 = arith.cmpi slt, %arg1, %lt3A : i32
    %convert_element_type3A = arith.extui %lt3A_3 : i1 to i32
    %cond3A = arith.constant 0 : i32
    %cond3A_4 = arith.cmpi ne, %convert_element_type3A, %cond3A : i32
    scf.if %cond3A_4 {
      %mul3A_143 = arith.constant 640 : i32
      %mul3A_144 = arith.muli %arg1, %mul3A_143 : i32
      %mul3A_145 = arith.constant 640 : i32
      %mul3A_146 = arith.muli %arg1, %mul3A_145 : i32
      "tpu.region"() ({
        %run_scoped3A_147 = tpu.sem_alloc : memref<!tpu.dma_semaphore, #tpu.memory_space<semaphore_mem>>
        %dma_start3A_148 = arith.constant 0 : i32
        %dma_start3A_149 = tpu.memref_slice %arg6[%mul3A_146, %dma_start3A_148] : memref<10240x64xf32, #tpu.memory_space<vmem_shared>> -> memref<640x64xf32, #tpu.memory_space<vmem_shared>>
        %dma_start3A_150 = tpu.memref_slice %arg2[%mul3A_144, %mul3A_2] : memref<10000x128xf32, #tpu.memory_space<hbm>> -> memref<640x64xf32, #tpu.memory_space<hbm>>
        tpu.enqueue_dma source(%dma_start3A_150 : memref<640x64xf32, #tpu.memory_space<hbm>>) target(%dma_start3A_149 : memref<640x64xf32, #tpu.memory_space<vmem_shared>>) target_semaphore(%run_scoped3A_147 : memref<!tpu.dma_semaphore, #tpu.memory_space<semaphore_mem>>)
        %dma_wait3A_151 = arith.constant 0 : i32
        %dma_wait3A_152 = tpu.memref_slice %arg6[%mul3A_146, %dma_wait3A_151] : memref<10240x64xf32, #tpu.memory_space<vmem_shared>> -> memref<640x64xf32, #tpu.memory_space<vmem_shared>>
        %dma_wait3A_153 = tpu.memref_slice %arg2[%mul3A_144, %mul3A_2] : memref<10000x128xf32, #tpu.memory_space<hbm>> -> memref<640x64xf32, #tpu.memory_space<hbm>>
        tpu.wait_dma2 semaphore(%run_scoped3A_147 : memref<!tpu.dma_semaphore, #tpu.memory_space<semaphore_mem>>) src(%dma_wait3A_153 : memref<640x64xf32, #tpu.memory_space<hbm>>) dst(%dma_wait3A_152 : memref<640x64xf32, #tpu.memory_space<vmem_shared>>)
        tpu.yield
      }) : () -> ()
    } else {
    }
    %eq3A = arith.constant 15 : i32
    %eq3A_5 = arith.cmpi eq, %arg1, %eq3A : i32
    %convert_element_type3A_6 = arith.extui %eq3A_5 : i1 to i32
    %cond3A_7 = arith.constant 0 : i32
    %cond3A_8 = arith.cmpi ne, %convert_element_type3A_6, %cond3A_7 : i32
    scf.if %cond3A_8 {
      "tpu.region"() ({
        %run_scoped3A_143 = tpu.sem_alloc : memref<!tpu.dma_semaphore, #tpu.memory_space<semaphore_mem>>
        %dma_start3A_144 = arith.constant 9600 : i32
        %dma_start3A_145 = arith.constant 0 : i32
        %dma_start3A_146 = tpu.memref_slice %arg6[%dma_start3A_144, %dma_start3A_145] : memref<10240x64xf32, #tpu.memory_space<vmem_shared>> -> memref<400x64xf32, #tpu.memory_space<vmem_shared>>
        %dma_start3A_147 = arith.constant 9600 : i32
        %dma_start3A_148 = tpu.memref_slice %arg2[%dma_start3A_147, %mul3A_2] : memref<10000x128xf32, #tpu.memory_space<hbm>> -> memref<400x64xf32, #tpu.memory_space<hbm>>
        tpu.enqueue_dma source(%dma_start3A_148 : memref<400x64xf32, #tpu.memory_space<hbm>>) target(%dma_start3A_146 : memref<400x64xf32, #tpu.memory_space<vmem_shared>>) target_semaphore(%run_scoped3A_143 : memref<!tpu.dma_semaphore, #tpu.memory_space<semaphore_mem>>)
        %dma_wait3A_149 = arith.constant 9600 : i32
        %dma_wait3A_150 = arith.constant 0 : i32
        %dma_wait3A_151 = tpu.memref_slice %arg6[%dma_wait3A_149, %dma_wait3A_150] : memref<10240x64xf32, #tpu.memory_space<vmem_shared>> -> memref<400x64xf32, #tpu.memory_space<vmem_shared>>
        %dma_wait3A_152 = arith.constant 9600 : i32
        %dma_wait3A_153 = tpu.memref_slice %arg2[%dma_wait3A_152, %mul3A_2] : memref<10000x128xf32, #tpu.memory_space<hbm>> -> memref<400x64xf32, #tpu.memory_space<hbm>>
        tpu.wait_dma2 semaphore(%run_scoped3A_143 : memref<!tpu.dma_semaphore, #tpu.memory_space<semaphore_mem>>) src(%dma_wait3A_153 : memref<400x64xf32, #tpu.memory_space<hbm>>) dst(%dma_wait3A_151 : memref<400x64xf32, #tpu.memory_space<vmem_shared>>)
        tpu.yield
      }) : () -> ()
    } else {
    }
    %scan3A = arith.constant 0 : i32
    %scan3A_9 = arith.constant 128 : i32
    %scan3A_10 = arith.addi %scan3A, %scan3A_9 : i32
    %scan3A_11 = arith.constant 1 : i32
    scf.for %scan3A_143 = %scan3A to %scan3A_10 step %scan3A_11  : i32 {
      %mul3A_144 = arith.constant 1 : i32
      %mul3A_145 = arith.muli %scan3A_143, %mul3A_144 : i32
      %add3A_146 = arith.constant 0 : i32
      %add3A_147 = arith.addi %add3A_146, %mul3A_145 : i32
      %scan3A_148 = arith.constant 0 : i32
      %scan3A_149 = arith.constant 4 : i32
      %scan3A_150 = arith.addi %scan3A_148, %scan3A_149 : i32
      %scan3A_151 = arith.constant 1 : i32
      scf.for %scan3A_153 = %scan3A_148 to %scan3A_150 step %scan3A_151  : i32 {
        %mul3A_154 = arith.constant 16 : i32
        %mul3A_155 = arith.muli %scan3A_153, %mul3A_154 : i32
        %add3A_156 = arith.constant 0 : i32
        %add3A_157 = arith.addi %add3A_156, %mul3A_155 : i32
        %broadcast_in_dim3A_158 = arith.constant 0.000000e+00 : f32
        %broadcast_in_dim3A_159 = vector.broadcast %broadcast_in_dim3A_158 : f32 to vector<16xf32>
        %swap3A = arith.index_cast %add3A_147 : i32 to index
        %swap3A_160 = arith.index_cast %add3A_157 : i32 to index
        %swap3A_161 = tpu.vector_load %arg12[%swap3A, %swap3A_160] {strides = array<i32>} : memref<128x64xf32, #tpu.memory_space<vmem>>, vector<16xf32>,
        tpu.vector_store %arg12[%swap3A, %swap3A_160], %broadcast_in_dim3A_159 {strides = array<i32>} : memref<128x64xf32, #tpu.memory_space<vmem>>, vector<16xf32>,
      }
      %scan3A_152 = arith.constant 4 : i32
    }
    %scan3A_12 = arith.constant 128 : i32
    %scan3A_13 = arith.constant 0 : i32
    %scan3A_14 = arith.constant 640 : i32
    %scan3A_15 = arith.addi %scan3A_13, %scan3A_14 : i32
    %scan3A_16 = arith.constant 1 : i32
    scf.for %scan3A_143 = %scan3A_13 to %scan3A_15 step %scan3A_16  : i32 {
      %mul3A_144 = arith.constant 16 : i32
      %mul3A_145 = arith.muli %scan3A_143, %mul3A_144 : i32
      %add3A_146 = arith.constant 0 : i32
      %add3A_147 = arith.addi %add3A_146, %mul3A_145 : i32
      %broadcast_in_dim3A_148 = arith.constant 0.000000e+00 : f32
      %broadcast_in_dim3A_149 = vector.broadcast %broadcast_in_dim3A_148 : f32 to vector<16xf32>
      %swap3A = arith.index_cast %add3A_147 : i32 to index
      %swap3A_150 = tpu.vector_load %arg14[%swap3A] {strides = array<i32>} : memref<10240xf32, #tpu.memory_space<vmem>>, vector<16xf32>,
      tpu.vector_store %arg14[%swap3A], %broadcast_in_dim3A_149 {strides = array<i32>} : memref<10240xf32, #tpu.memory_space<vmem>>, vector<16xf32>,
    }
    %scan3A_17 = arith.constant 640 : i32
    %mul3A_18 = arith.constant 640 : i32
    %mul3A_19 = arith.muli %arg1, %mul3A_18 : i32
    %add3A = arith.constant 0 : i32
    %add3A_20 = arith.addi %mul3A_19, %add3A : i32
    "tpu.region"() ({
      %run_scoped3A_143 = tpu.sem_alloc : memref<!tpu.dma_semaphore, #tpu.memory_space<semaphore_mem>>
      %dma_start3A_144 = arith.constant 0 : i32
      %dma_start3A_145 = tpu.memref_slice %arg7[%add3A_20, %dma_start3A_144] : memref<10240x64xf32, #tpu.memory_space<vmem_shared>> -> memref<128x64xf32, #tpu.memory_space<vmem_shared>>
      %dma_start3A_146 = arith.constant 0 : i32
      %dma_start3A_147 = tpu.memref_slice %arg7[%add3A_20, %dma_start3A_146] : memref<10240x64xf32, #tpu.memory_space<vmem_shared>> -> memref<128x64xf32, #tpu.memory_space<vmem_shared>>
      tpu.enqueue_dma source(%arg12 : memref<128x64xf32, #tpu.memory_space<vmem>>) target(%dma_start3A_147 : memref<128x64xf32, #tpu.memory_space<vmem_shared>>) target_semaphore(%run_scoped3A_143 : memref<!tpu.dma_semaphore, #tpu.memory_space<semaphore_mem>>)
      %dma_wait3A_148 = arith.constant 0 : i32
      %dma_wait3A_149 = tpu.memref_slice %arg7[%add3A_20, %dma_wait3A_148] : memref<10240x64xf32, #tpu.memory_space<vmem_shared>> -> memref<128x64xf32, #tpu.memory_space<vmem_shared>>
      %dma_wait3A_150 = arith.constant 0 : i32
      %dma_wait3A_151 = tpu.memref_slice %arg7[%add3A_20, %dma_wait3A_150] : memref<10240x64xf32, #tpu.memory_space<vmem_shared>> -> memref<128x64xf32, #tpu.memory_space<vmem_shared>>
      tpu.wait_dma2 semaphore(%run_scoped3A_143 : memref<!tpu.dma_semaphore, #tpu.memory_space<semaphore_mem>>) src(%arg12 : memref<128x64xf32, #tpu.memory_space<vmem>>) dst(%dma_wait3A_151 : memref<128x64xf32, #tpu.memory_space<vmem_shared>>)
      tpu.yield
    }) : () -> ()
    %add3A_21 = arith.constant 128 : i32
    %add3A_22 = arith.addi %mul3A_19, %add3A_21 : i32
    "tpu.region"() ({
      %run_scoped3A_143 = tpu.sem_alloc : memref<!tpu.dma_semaphore, #tpu.memory_space<semaphore_mem>>
      %dma_start3A_144 = arith.constant 0 : i32
      %dma_start3A_145 = tpu.memref_slice %arg7[%add3A_22, %dma_start3A_144] : memref<10240x64xf32, #tpu.memory_space<vmem_shared>> -> memref<128x64xf32, #tpu.memory_space<vmem_shared>>
      %dma_start3A_146 = arith.constant 0 : i32
      %dma_start3A_147 = tpu.memref_slice %arg7[%add3A_22, %dma_start3A_146] : memref<10240x64xf32, #tpu.memory_space<vmem_shared>> -> memref<128x64xf32, #tpu.memory_space<vmem_shared>>
      tpu.enqueue_dma source(%arg12 : memref<128x64xf32, #tpu.memory_space<vmem>>) target(%dma_start3A_147 : memref<128x64xf32, #tpu.memory_space<vmem_shared>>) target_semaphore(%run_scoped3A_143 : memref<!tpu.dma_semaphore, #tpu.memory_space<semaphore_mem>>)
      %dma_wait3A_148 = arith.constant 0 : i32
      %dma_wait3A_149 = tpu.memref_slice %arg7[%add3A_22, %dma_wait3A_148] : memref<10240x64xf32, #tpu.memory_space<vmem_shared>> -> memref<128x64xf32, #tpu.memory_space<vmem_shared>>
      %dma_wait3A_150 = arith.constant 0 : i32
      %dma_wait3A_151 = tpu.memref_slice %arg7[%add3A_22, %dma_wait3A_150] : memref<10240x64xf32, #tpu.memory_space<vmem_shared>> -> memref<128x64xf32, #tpu.memory_space<vmem_shared>>
      tpu.wait_dma2 semaphore(%run_scoped3A_143 : memref<!tpu.dma_semaphore, #tpu.memory_space<semaphore_mem>>) src(%arg12 : memref<128x64xf32, #tpu.memory_space<vmem>>) dst(%dma_wait3A_151 : memref<128x64xf32, #tpu.memory_space<vmem_shared>>)
      tpu.yield
    }) : () -> ()
    %add3A_23 = arith.constant 256 : i32
    %add3A_24 = arith.addi %mul3A_19, %add3A_23 : i32
    "tpu.region"() ({
      %run_scoped3A_143 = tpu.sem_alloc : memref<!tpu.dma_semaphore, #tpu.memory_space<semaphore_mem>>
      %dma_start3A_144 = arith.constant 0 : i32
      %dma_start3A_145 = tpu.memref_slice %arg7[%add3A_24, %dma_start3A_144] : memref<10240x64xf32, #tpu.memory_space<vmem_shared>> -> memref<128x64xf32, #tpu.memory_space<vmem_shared>>
      %dma_start3A_146 = arith.constant 0 : i32
      %dma_start3A_147 = tpu.memref_slice %arg7[%add3A_24, %dma_start3A_146] : memref<10240x64xf32, #tpu.memory_space<vmem_shared>> -> memref<128x64xf32, #tpu.memory_space<vmem_shared>>
      tpu.enqueue_dma source(%arg12 : memref<128x64xf32, #tpu.memory_space<vmem>>) target(%dma_start3A_147 : memref<128x64xf32, #tpu.memory_space<vmem_shared>>) target_semaphore(%run_scoped3A_143 : memref<!tpu.dma_semaphore, #tpu.memory_space<semaphore_mem>>)
      %dma_wait3A_148 = arith.constant 0 : i32
      %dma_wait3A_149 = tpu.memref_slice %arg7[%add3A_24, %dma_wait3A_148] : memref<10240x64xf32, #tpu.memory_space<vmem_shared>> -> memref<128x64xf32, #tpu.memory_space<vmem_shared>>
      %dma_wait3A_150 = arith.constant 0 : i32
      %dma_wait3A_151 = tpu.memref_slice %arg7[%add3A_24, %dma_wait3A_150] : memref<10240x64xf32, #tpu.memory_space<vmem_shared>> -> memref<128x64xf32, #tpu.memory_space<vmem_shared>>
      tpu.wait_dma2 semaphore(%run_scoped3A_143 : memref<!tpu.dma_semaphore, #tpu.memory_space<semaphore_mem>>) src(%arg12 : memref<128x64xf32, #tpu.memory_space<vmem>>) dst(%dma_wait3A_151 : memref<128x64xf32, #tpu.memory_space<vmem_shared>>)
      tpu.yield
    }) : () -> ()
    %add3A_25 = arith.constant 384 : i32
    %add3A_26 = arith.addi %mul3A_19, %add3A_25 : i32
    "tpu.region"() ({
      %run_scoped3A_143 = tpu.sem_alloc : memref<!tpu.dma_semaphore, #tpu.memory_space<semaphore_mem>>
      %dma_start3A_144 = arith.constant 0 : i32
      %dma_start3A_145 = tpu.memref_slice %arg7[%add3A_26, %dma_start3A_144] : memref<10240x64xf32, #tpu.memory_space<vmem_shared>> -> memref<128x64xf32, #tpu.memory_space<vmem_shared>>
      %dma_start3A_146 = arith.constant 0 : i32
      %dma_start3A_147 = tpu.memref_slice %arg7[%add3A_26, %dma_start3A_146] : memref<10240x64xf32, #tpu.memory_space<vmem_shared>> -> memref<128x64xf32, #tpu.memory_space<vmem_shared>>
      tpu.enqueue_dma source(%arg12 : memref<128x64xf32, #tpu.memory_space<vmem>>) target(%dma_start3A_147 : memref<128x64xf32, #tpu.memory_space<vmem_shared>>) target_semaphore(%run_scoped3A_143 : memref<!tpu.dma_semaphore, #tpu.memory_space<semaphore_mem>>)
      %dma_wait3A_148 = arith.constant 0 : i32
      %dma_wait3A_149 = tpu.memref_slice %arg7[%add3A_26, %dma_wait3A_148] : memref<10240x64xf32, #tpu.memory_space<vmem_shared>> -> memref<128x64xf32, #tpu.memory_space<vmem_shared>>
      %dma_wait3A_150 = arith.constant 0 : i32
      %dma_wait3A_151 = tpu.memref_slice %arg7[%add3A_26, %dma_wait3A_150] : memref<10240x64xf32, #tpu.memory_space<vmem_shared>> -> memref<128x64xf32, #tpu.memory_space<vmem_shared>>
      tpu.wait_dma2 semaphore(%run_scoped3A_143 : memref<!tpu.dma_semaphore, #tpu.memory_space<semaphore_mem>>) src(%arg12 : memref<128x64xf32, #tpu.memory_space<vmem>>) dst(%dma_wait3A_151 : memref<128x64xf32, #tpu.memory_space<vmem_shared>>)
      tpu.yield
    }) : () -> ()
    %add3A_27 = arith.constant 512 : i32
    %add3A_28 = arith.addi %mul3A_19, %add3A_27 : i32
    "tpu.region"() ({
      %run_scoped3A_143 = tpu.sem_alloc : memref<!tpu.dma_semaphore, #tpu.memory_space<semaphore_mem>>
      %dma_start3A_144 = arith.constant 0 : i32
      %dma_start3A_145 = tpu.memref_slice %arg7[%add3A_28, %dma_start3A_144] : memref<10240x64xf32, #tpu.memory_space<vmem_shared>> -> memref<128x64xf32, #tpu.memory_space<vmem_shared>>
      %dma_start3A_146 = arith.constant 0 : i32
      %dma_start3A_147 = tpu.memref_slice %arg7[%add3A_28, %dma_start3A_146] : memref<10240x64xf32, #tpu.memory_space<vmem_shared>> -> memref<128x64xf32, #tpu.memory_space<vmem_shared>>
      tpu.enqueue_dma source(%arg12 : memref<128x64xf32, #tpu.memory_space<vmem>>) target(%dma_start3A_147 : memref<128x64xf32, #tpu.memory_space<vmem_shared>>) target_semaphore(%run_scoped3A_143 : memref<!tpu.dma_semaphore, #tpu.memory_space<semaphore_mem>>)
      %dma_wait3A_148 = arith.constant 0 : i32
      %dma_wait3A_149 = tpu.memref_slice %arg7[%add3A_28, %dma_wait3A_148] : memref<10240x64xf32, #tpu.memory_space<vmem_shared>> -> memref<128x64xf32, #tpu.memory_space<vmem_shared>>
      %dma_wait3A_150 = arith.constant 0 : i32
      %dma_wait3A_151 = tpu.memref_slice %arg7[%add3A_28, %dma_wait3A_150] : memref<10240x64xf32, #tpu.memory_space<vmem_shared>> -> memref<128x64xf32, #tpu.memory_space<vmem_shared>>
      tpu.wait_dma2 semaphore(%run_scoped3A_143 : memref<!tpu.dma_semaphore, #tpu.memory_space<semaphore_mem>>) src(%arg12 : memref<128x64xf32, #tpu.memory_space<vmem>>) dst(%dma_wait3A_151 : memref<128x64xf32, #tpu.memory_space<vmem_shared>>)
      tpu.yield
    }) : () -> ()
    %barrier3A = arith.constant 0 : index
    tpu.barrier barrier_id(%barrier3A)
    %broadcast_in_dim3A = arith.constant 1.000000e+00 : f32
    %broadcast_in_dim3A_29 = vector.broadcast %broadcast_in_dim3A : f32 to vector<16xf32>
    %add3A_30 = arith.constant 0 : i32
    %add3A_31 = arith.addi %mul3A_0, %add3A_30 : i32
    %dma_start3A = arith.constant 0 : i32
    %dma_start3A_32 = arith.constant 0 : i32
    %dma_start3A_33 = arith.constant 0 : i32
    %dma_start3A_34 = tpu.memref_slice %arg8[%dma_start3A_32, %dma_start3A_33] : memref<2x128xi32, #tpu.memory_space<vmem>> -> memref<1x128xi32, #tpu.memory_space<vmem>>
    %dma_start3A_35 = tpu.memref_squeeze %dma_start3A_34 : memref<1x128xi32, #tpu.memory_space<vmem>> -> memref<128xi32, #tpu.memory_space<vmem>>
    %dma_start3A_36 = tpu.memref_slice %arg3[%dma_start3A, %add3A_31] : memref<2x320000xi32, #tpu.memory_space<hbm>> -> memref<1x128xi32, #tpu.memory_space<hbm>>
    %dma_start3A_37 = tpu.memref_squeeze %dma_start3A_36 : memref<1x128xi32, #tpu.memory_space<hbm>> -> memref<128xi32, #tpu.memory_space<hbm>>
    %dma_start3A_38 = arith.constant 0 : i32
    %dma_start3A_39 = tpu.memref_slice %arg8[%dma_start3A_32, %dma_start3A_38] : memref<2x128xi32, #tpu.memory_space<vmem>> -> memref<1x128xi32, #tpu.memory_space<vmem>>
    %dma_start3A_40 = tpu.memref_squeeze %dma_start3A_39 : memref<1x128xi32, #tpu.memory_space<vmem>> -> memref<128xi32, #tpu.memory_space<vmem>>
    %dma_start3A_41 = tpu.memref_slice %arg3[%dma_start3A, %add3A_31] : memref<2x320000xi32, #tpu.memory_space<hbm>> -> memref<1x128xi32, #tpu.memory_space<hbm>>
    %dma_start3A_42 = tpu.memref_squeeze %dma_start3A_41 : memref<1x128xi32, #tpu.memory_space<hbm>> -> memref<128xi32, #tpu.memory_space<hbm>>
    tpu.enqueue_dma source(%dma_start3A_42 : memref<128xi32, #tpu.memory_space<hbm>>) target(%dma_start3A_40 : memref<128xi32, #tpu.memory_space<vmem>>) target_semaphore(%arg15 : memref<!tpu.dma_semaphore, #tpu.memory_space<semaphore_mem>>)
    %dma_start3A_43 = arith.constant 1 : i32
    %dma_start3A_44 = arith.constant 1 : i32
    %dma_start3A_45 = arith.constant 0 : i32
    %dma_start3A_46 = tpu.memref_slice %arg8[%dma_start3A_44, %dma_start3A_45] : memref<2x128xi32, #tpu.memory_space<vmem>> -> memref<1x128xi32, #tpu.memory_space<vmem>>
    %dma_start3A_47 = tpu.memref_squeeze %dma_start3A_46 : memref<1x128xi32, #tpu.memory_space<vmem>> -> memref<128xi32, #tpu.memory_space<vmem>>
    %dma_start3A_48 = tpu.memref_slice %arg3[%dma_start3A_43, %add3A_31] : memref<2x320000xi32, #tpu.memory_space<hbm>> -> memref<1x128xi32, #tpu.memory_space<hbm>>
    %dma_start3A_49 = tpu.memref_squeeze %dma_start3A_48 : memref<1x128xi32, #tpu.memory_space<hbm>> -> memref<128xi32, #tpu.memory_space<hbm>>
    %dma_start3A_50 = arith.constant 0 : i32
    %dma_start3A_51 = tpu.memref_slice %arg8[%dma_start3A_44, %dma_start3A_50] : memref<2x128xi32, #tpu.memory_space<vmem>> -> memref<1x128xi32, #tpu.memory_space<vmem>>
    %dma_start3A_52 = tpu.memref_squeeze %dma_start3A_51 : memref<1x128xi32, #tpu.memory_space<vmem>> -> memref<128xi32, #tpu.memory_space<vmem>>
    %dma_start3A_53 = tpu.memref_slice %arg3[%dma_start3A_43, %add3A_31] : memref<2x320000xi32, #tpu.memory_space<hbm>> -> memref<1x128xi32, #tpu.memory_space<hbm>>
    %dma_start3A_54 = tpu.memref_squeeze %dma_start3A_53 : memref<1x128xi32, #tpu.memory_space<hbm>> -> memref<128xi32, #tpu.memory_space<hbm>>
    tpu.enqueue_dma source(%dma_start3A_54 : memref<128xi32, #tpu.memory_space<hbm>>) target(%dma_start3A_52 : memref<128xi32, #tpu.memory_space<vmem>>) target_semaphore(%arg15 : memref<!tpu.dma_semaphore, #tpu.memory_space<semaphore_mem>>)
    %add3A_55 = arith.constant 128 : i32
    %add3A_56 = arith.addi %mul3A_0, %add3A_55 : i32
    %dma_start3A_57 = arith.constant 0 : i32
    %dma_start3A_58 = arith.constant 0 : i32
    %dma_start3A_59 = arith.constant 0 : i32
    %dma_start3A_60 = tpu.memref_slice %arg9[%dma_start3A_58, %dma_start3A_59] : memref<2x128xi32, #tpu.memory_space<vmem>> -> memref<1x128xi32, #tpu.memory_space<vmem>>
    %dma_start3A_61 = tpu.memref_squeeze %dma_start3A_60 : memref<1x128xi32, #tpu.memory_space<vmem>> -> memref<128xi32, #tpu.memory_space<vmem>>
    %dma_start3A_62 = tpu.memref_slice %arg3[%dma_start3A_57, %add3A_56] : memref<2x320000xi32, #tpu.memory_space<hbm>> -> memref<1x128xi32, #tpu.memory_space<hbm>>
    %dma_start3A_63 = tpu.memref_squeeze %dma_start3A_62 : memref<1x128xi32, #tpu.memory_space<hbm>> -> memref<128xi32, #tpu.memory_space<hbm>>
    %dma_start3A_64 = arith.constant 0 : i32
    %dma_start3A_65 = tpu.memref_slice %arg9[%dma_start3A_58, %dma_start3A_64] : memref<2x128xi32, #tpu.memory_space<vmem>> -> memref<1x128xi32, #tpu.memory_space<vmem>>
    %dma_start3A_66 = tpu.memref_squeeze %dma_start3A_65 : memref<1x128xi32, #tpu.memory_space<vmem>> -> memref<128xi32, #tpu.memory_space<vmem>>
    %dma_start3A_67 = tpu.memref_slice %arg3[%dma_start3A_57, %add3A_56] : memref<2x320000xi32, #tpu.memory_space<hbm>> -> memref<1x128xi32, #tpu.memory_space<hbm>>
    %dma_start3A_68 = tpu.memref_squeeze %dma_start3A_67 : memref<1x128xi32, #tpu.memory_space<hbm>> -> memref<128xi32, #tpu.memory_space<hbm>>
    tpu.enqueue_dma source(%dma_start3A_68 : memref<128xi32, #tpu.memory_space<hbm>>) target(%dma_start3A_66 : memref<128xi32, #tpu.memory_space<vmem>>) target_semaphore(%arg16 : memref<!tpu.dma_semaphore, #tpu.memory_space<semaphore_mem>>)
    %dma_start3A_69 = arith.constant 1 : i32
    %dma_start3A_70 = arith.constant 1 : i32
    %dma_start3A_71 = arith.constant 0 : i32
    %dma_start3A_72 = tpu.memref_slice %arg9[%dma_start3A_70, %dma_start3A_71] : memref<2x128xi32, #tpu.memory_space<vmem>> -> memref<1x128xi32, #tpu.memory_space<vmem>>
    %dma_start3A_73 = tpu.memref_squeeze %dma_start3A_72 : memref<1x128xi32, #tpu.memory_space<vmem>> -> memref<128xi32, #tpu.memory_space<vmem>>
    %dma_start3A_74 = tpu.memref_slice %arg3[%dma_start3A_69, %add3A_56] : memref<2x320000xi32, #tpu.memory_space<hbm>> -> memref<1x128xi32, #tpu.memory_space<hbm>>
    %dma_start3A_75 = tpu.memref_squeeze %dma_start3A_74 : memref<1x128xi32, #tpu.memory_space<hbm>> -> memref<128xi32, #tpu.memory_space<hbm>>
    %dma_start3A_76 = arith.constant 0 : i32
    %dma_start3A_77 = tpu.memref_slice %arg9[%dma_start3A_70, %dma_start3A_76] : memref<2x128xi32, #tpu.memory_space<vmem>> -> memref<1x128xi32, #tpu.memory_space<vmem>>
    %dma_start3A_78 = tpu.memref_squeeze %dma_start3A_77 : memref<1x128xi32, #tpu.memory_space<vmem>> -> memref<128xi32, #tpu.memory_space<vmem>>
    %dma_start3A_79 = tpu.memref_slice %arg3[%dma_start3A_69, %add3A_56] : memref<2x320000xi32, #tpu.memory_space<hbm>> -> memref<1x128xi32, #tpu.memory_space<hbm>>
    %dma_start3A_80 = tpu.memref_squeeze %dma_start3A_79 : memref<1x128xi32, #tpu.memory_space<hbm>> -> memref<128xi32, #tpu.memory_space<hbm>>
    tpu.enqueue_dma source(%dma_start3A_80 : memref<128xi32, #tpu.memory_space<hbm>>) target(%dma_start3A_78 : memref<128xi32, #tpu.memory_space<vmem>>) target_semaphore(%arg16 : memref<!tpu.dma_semaphore, #tpu.memory_space<semaphore_mem>>)
    %dma_wait3A = arith.constant 0 : i32
    %dma_wait3A_81 = arith.constant 0 : i32
    %dma_wait3A_82 = arith.constant 0 : i32
    %dma_wait3A_83 = tpu.memref_slice %arg8[%dma_wait3A_81, %dma_wait3A_82] : memref<2x128xi32, #tpu.memory_space<vmem>> -> memref<1x128xi32, #tpu.memory_space<vmem>>
    %dma_wait3A_84 = tpu.memref_squeeze %dma_wait3A_83 : memref<1x128xi32, #tpu.memory_space<vmem>> -> memref<128xi32, #tpu.memory_space<vmem>>
    %dma_wait3A_85 = arith.constant 0 : i32
    %dma_wait3A_86 = tpu.memref_slice %arg3[%dma_wait3A, %dma_wait3A_85] : memref<2x320000xi32, #tpu.memory_space<hbm>> -> memref<1x128xi32, #tpu.memory_space<hbm>>
    %dma_wait3A_87 = tpu.memref_squeeze %dma_wait3A_86 : memref<1x128xi32, #tpu.memory_space<hbm>> -> memref<128xi32, #tpu.memory_space<hbm>>
    %dma_wait3A_88 = arith.constant 0 : i32
    %dma_wait3A_89 = tpu.memref_slice %arg8[%dma_wait3A_81, %dma_wait3A_88] : memref<2x128xi32, #tpu.memory_space<vmem>> -> memref<1x128xi32, #tpu.memory_space<vmem>>
    %dma_wait3A_90 = tpu.memref_squeeze %dma_wait3A_89 : memref<1x128xi32, #tpu.memory_space<vmem>> -> memref<128xi32, #tpu.memory_space<vmem>>
    %dma_wait3A_91 = arith.constant 0 : i32
    %dma_wait3A_92 = tpu.memref_slice %arg3[%dma_wait3A, %dma_wait3A_91] : memref<2x320000xi32, #tpu.memory_space<hbm>> -> memref<1x128xi32, #tpu.memory_space<hbm>>
    %dma_wait3A_93 = tpu.memref_squeeze %dma_wait3A_92 : memref<1x128xi32, #tpu.memory_space<hbm>> -> memref<128xi32, #tpu.memory_space<hbm>>
    tpu.wait_dma2 semaphore(%arg15 : memref<!tpu.dma_semaphore, #tpu.memory_space<semaphore_mem>>) src(%dma_wait3A_93 : memref<128xi32, #tpu.memory_space<hbm>>) dst(%dma_wait3A_90 : memref<128xi32, #tpu.memory_space<vmem>>)
    %dma_wait3A_94 = arith.constant 1 : i32
    %dma_wait3A_95 = arith.constant 1 : i32
    %dma_wait3A_96 = arith.constant 0 : i32
    %dma_wait3A_97 = tpu.memref_slice %arg8[%dma_wait3A_95, %dma_wait3A_96] : memref<2x128xi32, #tpu.memory_space<vmem>> -> memref<1x128xi32, #tpu.memory_space<vmem>>
    %dma_wait3A_98 = tpu.memref_squeeze %dma_wait3A_97 : memref<1x128xi32, #tpu.memory_space<vmem>> -> memref<128xi32, #tpu.memory_space<vmem>>
    %dma_wait3A_99 = arith.constant 0 : i32
    %dma_wait3A_100 = tpu.memref_slice %arg3[%dma_wait3A_94, %dma_wait3A_99] : memref<2x320000xi32, #tpu.memory_space<hbm>> -> memref<1x128xi32, #tpu.memory_space<hbm>>
    %dma_wait3A_101 = tpu.memref_squeeze %dma_wait3A_100 : memref<1x128xi32, #tpu.memory_space<hbm>> -> memref<128xi32, #tpu.memory_space<hbm>>
    %dma_wait3A_102 = arith.constant 0 : i32
    %dma_wait3A_103 = tpu.memref_slice %arg8[%dma_wait3A_95, %dma_wait3A_102] : memref<2x128xi32, #tpu.memory_space<vmem>> -> memref<1x128xi32, #tpu.memory_space<vmem>>
    %dma_wait3A_104 = tpu.memref_squeeze %dma_wait3A_103 : memref<1x128xi32, #tpu.memory_space<vmem>> -> memref<128xi32, #tpu.memory_space<vmem>>
    %dma_wait3A_105 = arith.constant 0 : i32
    %dma_wait3A_106 = tpu.memref_slice %arg3[%dma_wait3A_94, %dma_wait3A_105] : memref<2x320000xi32, #tpu.memory_space<hbm>> -> memref<1x128xi32, #tpu.memory_space<hbm>>
    %dma_wait3A_107 = tpu.memref_squeeze %dma_wait3A_106 : memref<1x128xi32, #tpu.memory_space<hbm>> -> memref<128xi32, #tpu.memory_space<hbm>>
    tpu.wait_dma2 semaphore(%arg15 : memref<!tpu.dma_semaphore, #tpu.memory_space<semaphore_mem>>) src(%dma_wait3A_107 : memref<128xi32, #tpu.memory_space<hbm>>) dst(%dma_wait3A_104 : memref<128xi32, #tpu.memory_space<vmem>>)
    %dma_start3A_108 = arith.constant 0 : i32
    %dma_start3A_109 = arith.constant 0 : i32
    %dma_start3A_110 = tpu.memref_slice %arg8[%dma_start3A_108, %dma_start3A_109] : memref<2x128xi32, #tpu.memory_space<vmem>> -> memref<1x128xi32, #tpu.memory_space<vmem>>
    %dma_start3A_111 = tpu.memref_squeeze %dma_start3A_110 : memref<1x128xi32, #tpu.memory_space<vmem>> -> memref<128xi32, #tpu.memory_space<vmem>>
    %dma_start3A_112 = arith.constant 0 : i32
    %dma_start3A_113 = arith.constant 0 : i32
    %dma_start3A_114 = tpu.memref_slice %arg6[%dma_start3A_112, %dma_start3A_113] : memref<10240x64xf32, #tpu.memory_space<vmem_shared>> -> memref<10240x64xf32, #tpu.memory_space<vmem_shared>>
    tpu.enqueue_indirect_dma source(%dma_start3A_114 : memref<10240x64xf32, #tpu.memory_space<vmem_shared>>) target(%arg12 : memref<128x64xf32, #tpu.memory_space<vmem>>) offsets(%dma_start3A_111 : memref<128xi32, #tpu.memory_space<vmem>>) semaphore(%arg19 : memref<!tpu.dma_semaphore, #tpu.memory_space<semaphore_mem>>)
    %scan3A_115 = arith.constant 0 : i32
    %scan3A_116 = arith.constant 39 : i32
    %scan3A_117 = arith.addi %scan3A_115, %scan3A_116 : i32
    %scan3A_118 = arith.constant 1 : i32
    scf.for %scan3A_143 = %scan3A_115 to %scan3A_117 step %scan3A_118  : i32 {
      %mul3A_144 = arith.constant 4 : i32
      %mul3A_145 = arith.muli %scan3A_143, %mul3A_144 : i32
      %add3A_146 = arith.constant 0 : i32
      %add3A_147 = arith.addi %add3A_146, %mul3A_145 : i32
      %add3A_148 = arith.constant 0 : i32
      %add3A_149 = arith.addi %add3A_147, %add3A_148 : i32
      %add3A_150 = arith.constant 2 : i32
      %add3A_151 = arith.addi %add3A_149, %add3A_150 : i32
      %lt3A_152 = arith.constant 156 : i32
      %lt3A_153 = arith.cmpi slt, %add3A_151, %lt3A_152 : i32
      %convert_element_type3A_154 = arith.extui %lt3A_153 : i1 to i32
      %cond3A_155 = arith.constant 0 : i32
      %cond3A_156 = arith.cmpi ne, %convert_element_type3A_154, %cond3A_155 : i32
      scf.if %cond3A_156 {
        %add3A_264 = arith.constant 2 : i32
        %add3A_265 = arith.addi %add3A_149, %add3A_264 : i32
        %mul3A_266 = arith.constant 128 : i32
        %mul3A_267 = arith.muli %add3A_265, %mul3A_266 : i32
        %add3A_268 = arith.addi %mul3A_0, %mul3A_267 : i32
        %dma_start3A_269 = arith.constant 0 : i32
        %dma_start3A_270 = arith.constant 0 : i32
        %dma_start3A_271 = arith.constant 0 : i32
        %dma_start3A_272 = tpu.memref_slice %arg10[%dma_start3A_270, %dma_start3A_271] : memref<2x128xi32, #tpu.memory_space<vmem>> -> memref<1x128xi32, #tpu.memory_space<vmem>>
        %dma_start3A_273 = tpu.memref_squeeze %dma_start3A_272 : memref<1x128xi32, #tpu.memory_space<vmem>> -> memref<128xi32, #tpu.memory_space<vmem>>
        %dma_start3A_274 = tpu.memref_slice %arg3[%dma_start3A_269, %add3A_268] : memref<2x320000xi32, #tpu.memory_space<hbm>> -> memref<1x128xi32, #tpu.memory_space<hbm>>
        %dma_start3A_275 = tpu.memref_squeeze %dma_start3A_274 : memref<1x128xi32, #tpu.memory_space<hbm>> -> memref<128xi32, #tpu.memory_space<hbm>>
        %dma_start3A_276 = arith.constant 0 : i32
        %dma_start3A_277 = tpu.memref_slice %arg10[%dma_start3A_270, %dma_start3A_276] : memref<2x128xi32, #tpu.memory_space<vmem>> -> memref<1x128xi32, #tpu.memory_space<vmem>>
        %dma_start3A_278 = tpu.memref_squeeze %dma_start3A_277 : memref<1x128xi32, #tpu.memory_space<vmem>> -> memref<128xi32, #tpu.memory_space<vmem>>
        %dma_start3A_279 = tpu.memref_slice %arg3[%dma_start3A_269, %add3A_268] : memref<2x320000xi32, #tpu.memory_space<hbm>> -> memref<1x128xi32, #tpu.memory_space<hbm>>
        %dma_start3A_280 = tpu.memref_squeeze %dma_start3A_279 : memref<1x128xi32, #tpu.memory_space<hbm>> -> memref<128xi32, #tpu.memory_space<hbm>>
        tpu.enqueue_dma source(%dma_start3A_280 : memref<128xi32, #tpu.memory_space<hbm>>) target(%dma_start3A_278 : memref<128xi32, #tpu.memory_space<vmem>>) target_semaphore(%arg17 : memref<!tpu.dma_semaphore, #tpu.memory_space<semaphore_mem>>)
        %dma_start3A_281 = arith.constant 1 : i32
        %dma_start3A_282 = arith.constant 1 : i32
        %dma_start3A_283 = arith.constant 0 : i32
        %dma_start3A_284 = tpu.memref_slice %arg10[%dma_start3A_282, %dma_start3A_283] : memref<2x128xi32, #tpu.memory_space<vmem>> -> memref<1x128xi32, #tpu.memory_space<vmem>>
        %dma_start3A_285 = tpu.memref_squeeze %dma_start3A_284 : memref<1x128xi32, #tpu.memory_space<vmem>> -> memref<128xi32, #tpu.memory_space<vmem>>
        %dma_start3A_286 = tpu.memref_slice %arg3[%dma_start3A_281, %add3A_268] : memref<2x320000xi32, #tpu.memory_space<hbm>> -> memref<1x128xi32, #tpu.memory_space<hbm>>
        %dma_start3A_287 = tpu.memref_squeeze %dma_start3A_286 : memref<1x128xi32, #tpu.memory_space<hbm>> -> memref<128xi32, #tpu.memory_space<hbm>>
        %dma_start3A_288 = arith.constant 0 : i32
        %dma_start3A_289 = tpu.memref_slice %arg10[%dma_start3A_282, %dma_start3A_288] : memref<2x128xi32, #tpu.memory_space<vmem>> -> memref<1x128xi32, #tpu.memory_space<vmem>>
        %dma_start3A_290 = tpu.memref_squeeze %dma_start3A_289 : memref<1x128xi32, #tpu.memory_space<vmem>> -> memref<128xi32, #tpu.memory_space<vmem>>
        %dma_start3A_291 = tpu.memref_slice %arg3[%dma_start3A_281, %add3A_268] : memref<2x320000xi32, #tpu.memory_space<hbm>> -> memref<1x128xi32, #tpu.memory_space<hbm>>
        %dma_start3A_292 = tpu.memref_squeeze %dma_start3A_291 : memref<1x128xi32, #tpu.memory_space<hbm>> -> memref<128xi32, #tpu.memory_space<hbm>>
        tpu.enqueue_dma source(%dma_start3A_292 : memref<128xi32, #tpu.memory_space<hbm>>) target(%dma_start3A_290 : memref<128xi32, #tpu.memory_space<vmem>>) target_semaphore(%arg17 : memref<!tpu.dma_semaphore, #tpu.memory_space<semaphore_mem>>)
      } else {
      }
      %dma_wait3A_157 = arith.constant 0 : i32
      %dma_wait3A_158 = arith.constant 0 : i32
      %dma_wait3A_159 = tpu.memref_slice %arg8[%dma_wait3A_157, %dma_wait3A_158] : memref<2x128xi32, #tpu.memory_space<vmem>> -> memref<1x128xi32, #tpu.memory_space<vmem>>
      %dma_wait3A_160 = tpu.memref_squeeze %dma_wait3A_159 : memref<1x128xi32, #tpu.memory_space<vmem>> -> memref<128xi32, #tpu.memory_space<vmem>>
      %dma_wait3A_161 = arith.constant 0 : i32
      %dma_wait3A_162 = arith.constant 0 : i32
      %dma_wait3A_163 = tpu.memref_slice %arg6[%dma_wait3A_161, %dma_wait3A_162] : memref<10240x64xf32, #tpu.memory_space<vmem_shared>> -> memref<10240x64xf32, #tpu.memory_space<vmem_shared>>
      tpu.wait_indirect_dma semaphore(%arg19 : memref<!tpu.dma_semaphore, #tpu.memory_space<semaphore_mem>>) src(%dma_wait3A_163 : memref<10240x64xf32, #tpu.memory_space<vmem_shared>>) dst(%arg12 : memref<128x64xf32, #tpu.memory_space<vmem>>)
      %add3A_164 = arith.constant 1 : i32
      %add3A_165 = arith.addi %add3A_149, %add3A_164 : i32
      %lt3A_166 = arith.constant 156 : i32
      %lt3A_167 = arith.cmpi slt, %add3A_165, %lt3A_166 : i32
      %convert_element_type3A_168 = arith.extui %lt3A_167 : i1 to i32
      %cond3A_169 = arith.constant 0 : i32
      %cond3A_170 = arith.cmpi ne, %convert_element_type3A_168, %cond3A_169 : i32
      scf.if %cond3A_170 {
        %dma_wait3A_264 = arith.constant 0 : i32
        %dma_wait3A_265 = arith.constant 0 : i32
        %dma_wait3A_266 = arith.constant 0 : i32
        %dma_wait3A_267 = tpu.memref_slice %arg9[%dma_wait3A_265, %dma_wait3A_266] : memref<2x128xi32, #tpu.memory_space<vmem>> -> memref<1x128xi32, #tpu.memory_space<vmem>>
        %dma_wait3A_268 = tpu.memref_squeeze %dma_wait3A_267 : memref<1x128xi32, #tpu.memory_space<vmem>> -> memref<128xi32, #tpu.memory_space<vmem>>
        %dma_wait3A_269 = arith.constant 0 : i32
        %dma_wait3A_270 = tpu.memref_slice %arg3[%dma_wait3A_264, %dma_wait3A_269] : memref<2x320000xi32, #tpu.memory_space<hbm>> -> memref<1x128xi32, #tpu.memory_space<hbm>>
        %dma_wait3A_271 = tpu.memref_squeeze %dma_wait3A_270 : memref<1x128xi32, #tpu.memory_space<hbm>> -> memref<128xi32, #tpu.memory_space<hbm>>
        %dma_wait3A_272 = arith.constant 0 : i32
        %dma_wait3A_273 = tpu.memref_slice %arg9[%dma_wait3A_265, %dma_wait3A_272] : memref<2x128xi32, #tpu.memory_space<vmem>> -> memref<1x128xi32, #tpu.memory_space<vmem>>
        %dma_wait3A_274 = tpu.memref_squeeze %dma_wait3A_273 : memref<1x128xi32, #tpu.memory_space<vmem>> -> memref<128xi32, #tpu.memory_space<vmem>>
        %dma_wait3A_275 = arith.constant 0 : i32
        %dma_wait3A_276 = tpu.memref_slice %arg3[%dma_wait3A_264, %dma_wait3A_275] : memref<2x320000xi32, #tpu.memory_space<hbm>> -> memref<1x128xi32, #tpu.memory_space<hbm>>
        %dma_wait3A_277 = tpu.memref_squeeze %dma_wait3A_276 : memref<1x128xi32, #tpu.memory_space<hbm>> -> memref<128xi32, #tpu.memory_space<hbm>>
        tpu.wait_dma2 semaphore(%arg16 : memref<!tpu.dma_semaphore, #tpu.memory_space<semaphore_mem>>) src(%dma_wait3A_277 : memref<128xi32, #tpu.memory_space<hbm>>) dst(%dma_wait3A_274 : memref<128xi32, #tpu.memory_space<vmem>>)
        %dma_wait3A_278 = arith.constant 1 : i32
        %dma_wait3A_279 = arith.constant 1 : i32
        %dma_wait3A_280 = arith.constant 0 : i32
        %dma_wait3A_281 = tpu.memref_slice %arg9[%dma_wait3A_279, %dma_wait3A_280] : memref<2x128xi32, #tpu.memory_space<vmem>> -> memref<1x128xi32, #tpu.memory_space<vmem>>
        %dma_wait3A_282 = tpu.memref_squeeze %dma_wait3A_281 : memref<1x128xi32, #tpu.memory_space<vmem>> -> memref<128xi32, #tpu.memory_space<vmem>>
        %dma_wait3A_283 = arith.constant 0 : i32
        %dma_wait3A_284 = tpu.memref_slice %arg3[%dma_wait3A_278, %dma_wait3A_283] : memref<2x320000xi32, #tpu.memory_space<hbm>> -> memref<1x128xi32, #tpu.memory_space<hbm>>
        %dma_wait3A_285 = tpu.memref_squeeze %dma_wait3A_284 : memref<1x128xi32, #tpu.memory_space<hbm>> -> memref<128xi32, #tpu.memory_space<hbm>>
        %dma_wait3A_286 = arith.constant 0 : i32
        %dma_wait3A_287 = tpu.memref_slice %arg9[%dma_wait3A_279, %dma_wait3A_286] : memref<2x128xi32, #tpu.memory_space<vmem>> -> memref<1x128xi32, #tpu.memory_space<vmem>>
        %dma_wait3A_288 = tpu.memref_squeeze %dma_wait3A_287 : memref<1x128xi32, #tpu.memory_space<vmem>> -> memref<128xi32, #tpu.memory_space<vmem>>
        %dma_wait3A_289 = arith.constant 0 : i32
        %dma_wait3A_290 = tpu.memref_slice %arg3[%dma_wait3A_278, %dma_wait3A_289] : memref<2x320000xi32, #tpu.memory_space<hbm>> -> memref<1x128xi32, #tpu.memory_space<hbm>>
        %dma_wait3A_291 = tpu.memref_squeeze %dma_wait3A_290 : memref<1x128xi32, #tpu.memory_space<hbm>> -> memref<128xi32, #tpu.memory_space<hbm>>
        tpu.wait_dma2 semaphore(%arg16 : memref<!tpu.dma_semaphore, #tpu.memory_space<semaphore_mem>>) src(%dma_wait3A_291 : memref<128xi32, #tpu.memory_space<hbm>>) dst(%dma_wait3A_288 : memref<128xi32, #tpu.memory_space<vmem>>)
        %dma_start3A_292 = arith.constant 0 : i32
        %dma_start3A_293 = arith.constant 0 : i32
        %dma_start3A_294 = tpu.memref_slice %arg9[%dma_start3A_292, %dma_start3A_293] : memref<2x128xi32, #tpu.memory_space<vmem>> -> memref<1x128xi32, #tpu.memory_space<vmem>>
        %dma_start3A_295 = tpu.memref_squeeze %dma_start3A_294 : memref<1x128xi32, #tpu.memory_space<vmem>> -> memref<128xi32, #tpu.memory_space<vmem>>
        %dma_start3A_296 = arith.constant 0 : i32
        %dma_start3A_297 = arith.constant 0 : i32
        %dma_start3A_298 = tpu.memref_slice %arg6[%dma_start3A_296, %dma_start3A_297] : memref<10240x64xf32, #tpu.memory_space<vmem_shared>> -> memref<10240x64xf32, #tpu.memory_space<vmem_shared>>
        tpu.enqueue_indirect_dma source(%dma_start3A_298 : memref<10240x64xf32, #tpu.memory_space<vmem_shared>>) target(%arg13 : memref<128x64xf32, #tpu.memory_space<vmem>>) offsets(%dma_start3A_295 : memref<128xi32, #tpu.memory_space<vmem>>) semaphore(%arg20 : memref<!tpu.dma_semaphore, #tpu.memory_space<semaphore_mem>>)
      } else {
      }
      %run_scoped3A_171 = arith.constant 1 : i32
      "tpu.region"() ({
        %run_scoped3A_264 = tpu.sem_alloc : memref<!tpu.dma_semaphore, #tpu.memory_space<semaphore_mem>>
        %dma_start3A_265 = arith.constant 0 : i32
        %dma_start3A_266 = tpu.memref_slice %arg8[%run_scoped3A_171, %dma_start3A_265] : memref<2x128xi32, #tpu.memory_space<vmem>> -> memref<1x128xi32, #tpu.memory_space<vmem>>
        %dma_start3A_267 = tpu.memref_squeeze %dma_start3A_266 : memref<1x128xi32, #tpu.memory_space<vmem>> -> memref<128xi32, #tpu.memory_space<vmem>>
        %dma_start3A_268 = arith.constant 0 : i32
        %dma_start3A_269 = arith.constant 0 : i32
        %dma_start3A_270 = tpu.memref_slice %arg7[%dma_start3A_268, %dma_start3A_269] : memref<10240x64xf32, #tpu.memory_space<vmem_shared>> -> memref<10240x64xf32, #tpu.memory_space<vmem_shared>>
        tpu.enqueue_indirect_dma source(%arg12 : memref<128x64xf32, #tpu.memory_space<vmem>>) target(%dma_start3A_270 : memref<10240x64xf32, #tpu.memory_space<vmem_shared>>) offsets(%dma_start3A_267 : memref<128xi32, #tpu.memory_space<vmem>>) semaphore(%run_scoped3A_264 : memref<!tpu.dma_semaphore, #tpu.memory_space<semaphore_mem>>) {add = true}
        %dma_wait3A_271 = arith.constant 0 : i32
        %dma_wait3A_272 = tpu.memref_slice %arg8[%run_scoped3A_171, %dma_wait3A_271] : memref<2x128xi32, #tpu.memory_space<vmem>> -> memref<1x128xi32, #tpu.memory_space<vmem>>
        %dma_wait3A_273 = tpu.memref_squeeze %dma_wait3A_272 : memref<1x128xi32, #tpu.memory_space<vmem>> -> memref<128xi32, #tpu.memory_space<vmem>>
        %dma_wait3A_274 = arith.constant 0 : i32
        %dma_wait3A_275 = arith.constant 0 : i32
        %dma_wait3A_276 = tpu.memref_slice %arg7[%dma_wait3A_274, %dma_wait3A_275] : memref<10240x64xf32, #tpu.memory_space<vmem_shared>> -> memref<10240x64xf32, #tpu.memory_space<vmem_shared>>
        tpu.wait_indirect_dma semaphore(%run_scoped3A_264 : memref<!tpu.dma_semaphore, #tpu.memory_space<semaphore_mem>>) src(%arg12 : memref<128x64xf32, #tpu.memory_space<vmem>>) dst(%dma_wait3A_276 : memref<10240x64xf32, #tpu.memory_space<vmem_shared>>)
        tpu.yield
      }) : () -> ()
      %eq3A_172 = arith.constant 0 : i32
      %eq3A_173 = arith.cmpi eq, %arg0, %eq3A_172 : i32
      %convert_element_type3A_174 = arith.extui %eq3A_173 : i1 to i32
      %cond3A_175 = arith.constant 0 : i32
      %cond3A_176 = arith.cmpi ne, %convert_element_type3A_174, %cond3A_175 : i32
      scf.if %cond3A_176 {
        %scan3A_264 = arith.constant 0 : i32
        %scan3A_265 = arith.constant 8 : i32
        %scan3A_266 = arith.addi %scan3A_264, %scan3A_265 : i32
        %scan3A_267 = arith.constant 1 : i32
        scf.for %scan3A_269 = %scan3A_264 to %scan3A_266 step %scan3A_267  : i32 {
          %mul3A_270 = arith.constant 16 : i32
          %mul3A_271 = arith.muli %scan3A_269, %mul3A_270 : i32
          %add3A_272 = arith.constant 0 : i32
          %add3A_273 = arith.addi %add3A_272, %mul3A_271 : i32
          %get3A = arith.constant 1 : i32
          %get3A_274 = arith.index_cast %get3A : i32 to index
          %get3A_275 = arith.index_cast %add3A_273 : i32 to index
          %get3A_276 = tpu.vector_load %arg8[%get3A_274, %get3A_275] {strides = array<i32>} : memref<2x128xi32, #tpu.memory_space<vmem>>, vector<16xi32>,
          tpu.vector_store_idx %arg14[%get3A_276], %broadcast_in_dim3A_29 {add = true} : memref<10240xf32, #tpu.memory_space<vmem>>[vector<16xi32>], vector<16xf32>,
        }
        %scan3A_268 = arith.constant 8 : i32
      } else {
      }
      %add3A_177 = arith.constant 1 : i32
      %add3A_178 = arith.addi %add3A_147, %add3A_177 : i32
      %add3A_179 = arith.constant 2 : i32
      %add3A_180 = arith.addi %add3A_178, %add3A_179 : i32
      %lt3A_181 = arith.constant 156 : i32
      %lt3A_182 = arith.cmpi slt, %add3A_180, %lt3A_181 : i32
      %convert_element_type3A_183 = arith.extui %lt3A_182 : i1 to i32
      %cond3A_184 = arith.constant 0 : i32
      %cond3A_185 = arith.cmpi ne, %convert_element_type3A_183, %cond3A_184 : i32
      scf.if %cond3A_185 {
        %add3A_264 = arith.constant 2 : i32
        %add3A_265 = arith.addi %add3A_178, %add3A_264 : i32
        %mul3A_266 = arith.constant 128 : i32
        %mul3A_267 = arith.muli %add3A_265, %mul3A_266 : i32
        %add3A_268 = arith.addi %mul3A_0, %mul3A_267 : i32
        %dma_start3A_269 = arith.constant 0 : i32
        %dma_start3A_270 = arith.constant 0 : i32
        %dma_start3A_271 = arith.constant 0 : i32
        %dma_start3A_272 = tpu.memref_slice %arg11[%dma_start3A_270, %dma_start3A_271] : memref<2x128xi32, #tpu.memory_space<vmem>> -> memref<1x128xi32, #tpu.memory_space<vmem>>
        %dma_start3A_273 = tpu.memref_squeeze %dma_start3A_272 : memref<1x128xi32, #tpu.memory_space<vmem>> -> memref<128xi32, #tpu.memory_space<vmem>>
        %dma_start3A_274 = tpu.memref_slice %arg3[%dma_start3A_269, %add3A_268] : memref<2x320000xi32, #tpu.memory_space<hbm>> -> memref<1x128xi32, #tpu.memory_space<hbm>>
        %dma_start3A_275 = tpu.memref_squeeze %dma_start3A_274 : memref<1x128xi32, #tpu.memory_space<hbm>> -> memref<128xi32, #tpu.memory_space<hbm>>
        %dma_start3A_276 = arith.constant 0 : i32
        %dma_start3A_277 = tpu.memref_slice %arg11[%dma_start3A_270, %dma_start3A_276] : memref<2x128xi32, #tpu.memory_space<vmem>> -> memref<1x128xi32, #tpu.memory_space<vmem>>
        %dma_start3A_278 = tpu.memref_squeeze %dma_start3A_277 : memref<1x128xi32, #tpu.memory_space<vmem>> -> memref<128xi32, #tpu.memory_space<vmem>>
        %dma_start3A_279 = tpu.memref_slice %arg3[%dma_start3A_269, %add3A_268] : memref<2x320000xi32, #tpu.memory_space<hbm>> -> memref<1x128xi32, #tpu.memory_space<hbm>>
        %dma_start3A_280 = tpu.memref_squeeze %dma_start3A_279 : memref<1x128xi32, #tpu.memory_space<hbm>> -> memref<128xi32, #tpu.memory_space<hbm>>
        tpu.enqueue_dma source(%dma_start3A_280 : memref<128xi32, #tpu.memory_space<hbm>>) target(%dma_start3A_278 : memref<128xi32, #tpu.memory_space<vmem>>) target_semaphore(%arg18 : memref<!tpu.dma_semaphore, #tpu.memory_space<semaphore_mem>>)
        %dma_start3A_281 = arith.constant 1 : i32
        %dma_start3A_282 = arith.constant 1 : i32
        %dma_start3A_283 = arith.constant 0 : i32
        %dma_start3A_284 = tpu.memref_slice %arg11[%dma_start3A_282, %dma_start3A_283] : memref<2x128xi32, #tpu.memory_space<vmem>> -> memref<1x128xi32, #tpu.memory_space<vmem>>
        %dma_start3A_285 = tpu.memref_squeeze %dma_start3A_284 : memref<1x128xi32, #tpu.memory_space<vmem>> -> memref<128xi32, #tpu.memory_space<vmem>>
        %dma_start3A_286 = tpu.memref_slice %arg3[%dma_start3A_281, %add3A_268] : memref<2x320000xi32, #tpu.memory_space<hbm>> -> memref<1x128xi32, #tpu.memory_space<hbm>>
        %dma_start3A_287 = tpu.memref_squeeze %dma_start3A_286 : memref<1x128xi32, #tpu.memory_space<hbm>> -> memref<128xi32, #tpu.memory_space<hbm>>
        %dma_start3A_288 = arith.constant 0 : i32
        %dma_start3A_289 = tpu.memref_slice %arg11[%dma_start3A_282, %dma_start3A_288] : memref<2x128xi32, #tpu.memory_space<vmem>> -> memref<1x128xi32, #tpu.memory_space<vmem>>
        %dma_start3A_290 = tpu.memref_squeeze %dma_start3A_289 : memref<1x128xi32, #tpu.memory_space<vmem>> -> memref<128xi32, #tpu.memory_space<vmem>>
        %dma_start3A_291 = tpu.memref_slice %arg3[%dma_start3A_281, %add3A_268] : memref<2x320000xi32, #tpu.memory_space<hbm>> -> memref<1x128xi32, #tpu.memory_space<hbm>>
        %dma_start3A_292 = tpu.memref_squeeze %dma_start3A_291 : memref<1x128xi32, #tpu.memory_space<hbm>> -> memref<128xi32, #tpu.memory_space<hbm>>
        tpu.enqueue_dma source(%dma_start3A_292 : memref<128xi32, #tpu.memory_space<hbm>>) target(%dma_start3A_290 : memref<128xi32, #tpu.memory_space<vmem>>) target_semaphore(%arg18 : memref<!tpu.dma_semaphore, #tpu.memory_space<semaphore_mem>>)
      } else {
      }
      %dma_wait3A_186 = arith.constant 0 : i32
      %dma_wait3A_187 = arith.constant 0 : i32
      %dma_wait3A_188 = tpu.memref_slice %arg9[%dma_wait3A_186, %dma_wait3A_187] : memref<2x128xi32, #tpu.memory_space<vmem>> -> memref<1x128xi32, #tpu.memory_space<vmem>>
      %dma_wait3A_189 = tpu.memref_squeeze %dma_wait3A_188 : memref<1x128xi32, #tpu.memory_space<vmem>> -> memref<128xi32, #tpu.memory_space<vmem>>
      %dma_wait3A_190 = arith.constant 0 : i32
      %dma_wait3A_191 = arith.constant 0 : i32
      %dma_wait3A_192 = tpu.memref_slice %arg6[%dma_wait3A_190, %dma_wait3A_191] : memref<10240x64xf32, #tpu.memory_space<vmem_shared>> -> memref<10240x64xf32, #tpu.memory_space<vmem_shared>>
      tpu.wait_indirect_dma semaphore(%arg20 : memref<!tpu.dma_semaphore, #tpu.memory_space<semaphore_mem>>) src(%dma_wait3A_192 : memref<10240x64xf32, #tpu.memory_space<vmem_shared>>) dst(%arg13 : memref<128x64xf32, #tpu.memory_space<vmem>>)
      %add3A_193 = arith.constant 1 : i32
      %add3A_194 = arith.addi %add3A_178, %add3A_193 : i32
      %lt3A_195 = arith.constant 156 : i32
      %lt3A_196 = arith.cmpi slt, %add3A_194, %lt3A_195 : i32
      %convert_element_type3A_197 = arith.extui %lt3A_196 : i1 to i32
      %cond3A_198 = arith.constant 0 : i32
      %cond3A_199 = arith.cmpi ne, %convert_element_type3A_197, %cond3A_198 : i32
      scf.if %cond3A_199 {
        %dma_wait3A_264 = arith.constant 0 : i32
        %dma_wait3A_265 = arith.constant 0 : i32
        %dma_wait3A_266 = arith.constant 0 : i32
        %dma_wait3A_267 = tpu.memref_slice %arg10[%dma_wait3A_265, %dma_wait3A_266] : memref<2x128xi32, #tpu.memory_space<vmem>> -> memref<1x128xi32, #tpu.memory_space<vmem>>
        %dma_wait3A_268 = tpu.memref_squeeze %dma_wait3A_267 : memref<1x128xi32, #tpu.memory_space<vmem>> -> memref<128xi32, #tpu.memory_space<vmem>>
        %dma_wait3A_269 = arith.constant 0 : i32
        %dma_wait3A_270 = tpu.memref_slice %arg3[%dma_wait3A_264, %dma_wait3A_269] : memref<2x320000xi32, #tpu.memory_space<hbm>> -> memref<1x128xi32, #tpu.memory_space<hbm>>
        %dma_wait3A_271 = tpu.memref_squeeze %dma_wait3A_270 : memref<1x128xi32, #tpu.memory_space<hbm>> -> memref<128xi32, #tpu.memory_space<hbm>>
        %dma_wait3A_272 = arith.constant 0 : i32
        %dma_wait3A_273 = tpu.memref_slice %arg10[%dma_wait3A_265, %dma_wait3A_272] : memref<2x128xi32, #tpu.memory_space<vmem>> -> memref<1x128xi32, #tpu.memory_space<vmem>>
        %dma_wait3A_274 = tpu.memref_squeeze %dma_wait3A_273 : memref<1x128xi32, #tpu.memory_space<vmem>> -> memref<128xi32, #tpu.memory_space<vmem>>
        %dma_wait3A_275 = arith.constant 0 : i32
        %dma_wait3A_276 = tpu.memref_slice %arg3[%dma_wait3A_264, %dma_wait3A_275] : memref<2x320000xi32, #tpu.memory_space<hbm>> -> memref<1x128xi32, #tpu.memory_space<hbm>>
        %dma_wait3A_277 = tpu.memref_squeeze %dma_wait3A_276 : memref<1x128xi32, #tpu.memory_space<hbm>> -> memref<128xi32, #tpu.memory_space<hbm>>
        tpu.wait_dma2 semaphore(%arg17 : memref<!tpu.dma_semaphore, #tpu.memory_space<semaphore_mem>>) src(%dma_wait3A_277 : memref<128xi32, #tpu.memory_space<hbm>>) dst(%dma_wait3A_274 : memref<128xi32, #tpu.memory_space<vmem>>)
        %dma_wait3A_278 = arith.constant 1 : i32
        %dma_wait3A_279 = arith.constant 1 : i32
        %dma_wait3A_280 = arith.constant 0 : i32
        %dma_wait3A_281 = tpu.memref_slice %arg10[%dma_wait3A_279, %dma_wait3A_280] : memref<2x128xi32, #tpu.memory_space<vmem>> -> memref<1x128xi32, #tpu.memory_space<vmem>>
        %dma_wait3A_282 = tpu.memref_squeeze %dma_wait3A_281 : memref<1x128xi32, #tpu.memory_space<vmem>> -> memref<128xi32, #tpu.memory_space<vmem>>
        %dma_wait3A_283 = arith.constant 0 : i32
        %dma_wait3A_284 = tpu.memref_slice %arg3[%dma_wait3A_278, %dma_wait3A_283] : memref<2x320000xi32, #tpu.memory_space<hbm>> -> memref<1x128xi32, #tpu.memory_space<hbm>>
        %dma_wait3A_285 = tpu.memref_squeeze %dma_wait3A_284 : memref<1x128xi32, #tpu.memory_space<hbm>> -> memref<128xi32, #tpu.memory_space<hbm>>
        %dma_wait3A_286 = arith.constant 0 : i32
        %dma_wait3A_287 = tpu.memref_slice %arg10[%dma_wait3A_279, %dma_wait3A_286] : memref<2x128xi32, #tpu.memory_space<vmem>> -> memref<1x128xi32, #tpu.memory_space<vmem>>
        %dma_wait3A_288 = tpu.memref_squeeze %dma_wait3A_287 : memref<1x128xi32, #tpu.memory_space<vmem>> -> memref<128xi32, #tpu.memory_space<vmem>>
        %dma_wait3A_289 = arith.constant 0 : i32
        %dma_wait3A_290 = tpu.memref_slice %arg3[%dma_wait3A_278, %dma_wait3A_289] : memref<2x320000xi32, #tpu.memory_space<hbm>> -> memref<1x128xi32, #tpu.memory_space<hbm>>
        %dma_wait3A_291 = tpu.memref_squeeze %dma_wait3A_290 : memref<1x128xi32, #tpu.memory_space<hbm>> -> memref<128xi32, #tpu.memory_space<hbm>>
        tpu.wait_dma2 semaphore(%arg17 : memref<!tpu.dma_semaphore, #tpu.memory_space<semaphore_mem>>) src(%dma_wait3A_291 : memref<128xi32, #tpu.memory_space<hbm>>) dst(%dma_wait3A_288 : memref<128xi32, #tpu.memory_space<vmem>>)
        %dma_start3A_292 = arith.constant 0 : i32
        %dma_start3A_293 = arith.constant 0 : i32
        %dma_start3A_294 = tpu.memref_slice %arg10[%dma_start3A_292, %dma_start3A_293] : memref<2x128xi32, #tpu.memory_space<vmem>> -> memref<1x128xi32, #tpu.memory_space<vmem>>
        %dma_start3A_295 = tpu.memref_squeeze %dma_start3A_294 : memref<1x128xi32, #tpu.memory_space<vmem>> -> memref<128xi32, #tpu.memory_space<vmem>>
        %dma_start3A_296 = arith.constant 0 : i32
        %dma_start3A_297 = arith.constant 0 : i32
        %dma_start3A_298 = tpu.memref_slice %arg6[%dma_start3A_296, %dma_start3A_297] : memref<10240x64xf32, #tpu.memory_space<vmem_shared>> -> memref<10240x64xf32, #tpu.memory_space<vmem_shared>>
        tpu.enqueue_indirect_dma source(%dma_start3A_298 : memref<10240x64xf32, #tpu.memory_space<vmem_shared>>) target(%arg12 : memref<128x64xf32, #tpu.memory_space<vmem>>) offsets(%dma_start3A_295 : memref<128xi32, #tpu.memory_space<vmem>>) semaphore(%arg19 : memref<!tpu.dma_semaphore, #tpu.memory_space<semaphore_mem>>)
      } else {
      }
      %run_scoped3A_200 = arith.constant 1 : i32
      "tpu.region"() ({
        %run_scoped3A_264 = tpu.sem_alloc : memref<!tpu.dma_semaphore, #tpu.memory_space<semaphore_mem>>
        %dma_start3A_265 = arith.constant 0 : i32
        %dma_start3A_266 = tpu.memref_slice %arg9[%run_scoped3A_200, %dma_start3A_265] : memref<2x128xi32, #tpu.memory_space<vmem>> -> memref<1x128xi32, #tpu.memory_space<vmem>>
        %dma_start3A_267 = tpu.memref_squeeze %dma_start3A_266 : memref<1x128xi32, #tpu.memory_space<vmem>> -> memref<128xi32, #tpu.memory_space<vmem>>
        %dma_start3A_268 = arith.constant 0 : i32
        %dma_start3A_269 = arith.constant 0 : i32
        %dma_start3A_270 = tpu.memref_slice %arg7[%dma_start3A_268, %dma_start3A_269] : memref<10240x64xf32, #tpu.memory_space<vmem_shared>> -> memref<10240x64xf32, #tpu.memory_space<vmem_shared>>
        tpu.enqueue_indirect_dma source(%arg13 : memref<128x64xf32, #tpu.memory_space<vmem>>) target(%dma_start3A_270 : memref<10240x64xf32, #tpu.memory_space<vmem_shared>>) offsets(%dma_start3A_267 : memref<128xi32, #tpu.memory_space<vmem>>) semaphore(%run_scoped3A_264 : memref<!tpu.dma_semaphore, #tpu.memory_space<semaphore_mem>>) {add = true}
        %dma_wait3A_271 = arith.constant 0 : i32
        %dma_wait3A_272 = tpu.memref_slice %arg9[%run_scoped3A_200, %dma_wait3A_271] : memref<2x128xi32, #tpu.memory_space<vmem>> -> memref<1x128xi32, #tpu.memory_space<vmem>>
        %dma_wait3A_273 = tpu.memref_squeeze %dma_wait3A_272 : memref<1x128xi32, #tpu.memory_space<vmem>> -> memref<128xi32, #tpu.memory_space<vmem>>
        %dma_wait3A_274 = arith.constant 0 : i32
        %dma_wait3A_275 = arith.constant 0 : i32
        %dma_wait3A_276 = tpu.memref_slice %arg7[%dma_wait3A_274, %dma_wait3A_275] : memref<10240x64xf32, #tpu.memory_space<vmem_shared>> -> memref<10240x64xf32, #tpu.memory_space<vmem_shared>>
        tpu.wait_indirect_dma semaphore(%run_scoped3A_264 : memref<!tpu.dma_semaphore, #tpu.memory_space<semaphore_mem>>) src(%arg13 : memref<128x64xf32, #tpu.memory_space<vmem>>) dst(%dma_wait3A_276 : memref<10240x64xf32, #tpu.memory_space<vmem_shared>>)
        tpu.yield
      }) : () -> ()
      %eq3A_201 = arith.constant 0 : i32
      %eq3A_202 = arith.cmpi eq, %arg0, %eq3A_201 : i32
      %convert_element_type3A_203 = arith.extui %eq3A_202 : i1 to i32
      %cond3A_204 = arith.constant 0 : i32
      %cond3A_205 = arith.cmpi ne, %convert_element_type3A_203, %cond3A_204 : i32
      scf.if %cond3A_205 {
        %scan3A_264 = arith.constant 0 : i32
        %scan3A_265 = arith.constant 8 : i32
        %scan3A_266 = arith.addi %scan3A_264, %scan3A_265 : i32
        %scan3A_267 = arith.constant 1 : i32
        scf.for %scan3A_269 = %scan3A_264 to %scan3A_266 step %scan3A_267  : i32 {
          %mul3A_270 = arith.constant 16 : i32
          %mul3A_271 = arith.muli %scan3A_269, %mul3A_270 : i32
          %add3A_272 = arith.constant 0 : i32
          %add3A_273 = arith.addi %add3A_272, %mul3A_271 : i32
          %get3A = arith.constant 1 : i32
          %get3A_274 = arith.index_cast %get3A : i32 to index
          %get3A_275 = arith.index_cast %add3A_273 : i32 to index
          %get3A_276 = tpu.vector_load %arg9[%get3A_274, %get3A_275] {strides = array<i32>} : memref<2x128xi32, #tpu.memory_space<vmem>>, vector<16xi32>,
          tpu.vector_store_idx %arg14[%get3A_276], %broadcast_in_dim3A_29 {add = true} : memref<10240xf32, #tpu.memory_space<vmem>>[vector<16xi32>], vector<16xf32>,
        }
        %scan3A_268 = arith.constant 8 : i32
      } else {
      }
      %add3A_206 = arith.constant 2 : i32
      %add3A_207 = arith.addi %add3A_147, %add3A_206 : i32
      %add3A_208 = arith.constant 2 : i32
      %add3A_209 = arith.addi %add3A_207, %add3A_208 : i32
      %lt3A_210 = arith.constant 156 : i32
      %lt3A_211 = arith.cmpi slt, %add3A_209, %lt3A_210 : i32
      %convert_element_type3A_212 = arith.extui %lt3A_211 : i1 to i32
      %cond3A_213 = arith.constant 0 : i32
      %cond3A_214 = arith.cmpi ne, %convert_element_type3A_212, %cond3A_213 : i32
      scf.if %cond3A_214 {
        %add3A_264 = arith.constant 2 : i32
        %add3A_265 = arith.addi %add3A_207, %add3A_264 : i32
        %mul3A_266 = arith.constant 128 : i32
        %mul3A_267 = arith.muli %add3A_265, %mul3A_266 : i32
        %add3A_268 = arith.addi %mul3A_0, %mul3A_267 : i32
        %dma_start3A_269 = arith.constant 0 : i32
        %dma_start3A_270 = arith.constant 0 : i32
        %dma_start3A_271 = arith.constant 0 : i32
        %dma_start3A_272 = tpu.memref_slice %arg8[%dma_start3A_270, %dma_start3A_271] : memref<2x128xi32, #tpu.memory_space<vmem>> -> memref<1x128xi32, #tpu.memory_space<vmem>>
        %dma_start3A_273 = tpu.memref_squeeze %dma_start3A_272 : memref<1x128xi32, #tpu.memory_space<vmem>> -> memref<128xi32, #tpu.memory_space<vmem>>
        %dma_start3A_274 = tpu.memref_slice %arg3[%dma_start3A_269, %add3A_268] : memref<2x320000xi32, #tpu.memory_space<hbm>> -> memref<1x128xi32, #tpu.memory_space<hbm>>
        %dma_start3A_275 = tpu.memref_squeeze %dma_start3A_274 : memref<1x128xi32, #tpu.memory_space<hbm>> -> memref<128xi32, #tpu.memory_space<hbm>>
        %dma_start3A_276 = arith.constant 0 : i32
        %dma_start3A_277 = tpu.memref_slice %arg8[%dma_start3A_270, %dma_start3A_276] : memref<2x128xi32, #tpu.memory_space<vmem>> -> memref<1x128xi32, #tpu.memory_space<vmem>>
        %dma_start3A_278 = tpu.memref_squeeze %dma_start3A_277 : memref<1x128xi32, #tpu.memory_space<vmem>> -> memref<128xi32, #tpu.memory_space<vmem>>
        %dma_start3A_279 = tpu.memref_slice %arg3[%dma_start3A_269, %add3A_268] : memref<2x320000xi32, #tpu.memory_space<hbm>> -> memref<1x128xi32, #tpu.memory_space<hbm>>
        %dma_start3A_280 = tpu.memref_squeeze %dma_start3A_279 : memref<1x128xi32, #tpu.memory_space<hbm>> -> memref<128xi32, #tpu.memory_space<hbm>>
        tpu.enqueue_dma source(%dma_start3A_280 : memref<128xi32, #tpu.memory_space<hbm>>) target(%dma_start3A_278 : memref<128xi32, #tpu.memory_space<vmem>>) target_semaphore(%arg15 : memref<!tpu.dma_semaphore, #tpu.memory_space<semaphore_mem>>)
        %dma_start3A_281 = arith.constant 1 : i32
        %dma_start3A_282 = arith.constant 1 : i32
        %dma_start3A_283 = arith.constant 0 : i32
        %dma_start3A_284 = tpu.memref_slice %arg8[%dma_start3A_282, %dma_start3A_283] : memref<2x128xi32, #tpu.memory_space<vmem>> -> memref<1x128xi32, #tpu.memory_space<vmem>>
        %dma_start3A_285 = tpu.memref_squeeze %dma_start3A_284 : memref<1x128xi32, #tpu.memory_space<vmem>> -> memref<128xi32, #tpu.memory_space<vmem>>
        %dma_start3A_286 = tpu.memref_slice %arg3[%dma_start3A_281, %add3A_268] : memref<2x320000xi32, #tpu.memory_space<hbm>> -> memref<1x128xi32, #tpu.memory_space<hbm>>
        %dma_start3A_287 = tpu.memref_squeeze %dma_start3A_286 : memref<1x128xi32, #tpu.memory_space<hbm>> -> memref<128xi32, #tpu.memory_space<hbm>>
        %dma_start3A_288 = arith.constant 0 : i32
        %dma_start3A_289 = tpu.memref_slice %arg8[%dma_start3A_282, %dma_start3A_288] : memref<2x128xi32, #tpu.memory_space<vmem>> -> memref<1x128xi32, #tpu.memory_space<vmem>>
        %dma_start3A_290 = tpu.memref_squeeze %dma_start3A_289 : memref<1x128xi32, #tpu.memory_space<vmem>> -> memref<128xi32, #tpu.memory_space<vmem>>
        %dma_start3A_291 = tpu.memref_slice %arg3[%dma_start3A_281, %add3A_268] : memref<2x320000xi32, #tpu.memory_space<hbm>> -> memref<1x128xi32, #tpu.memory_space<hbm>>
        %dma_start3A_292 = tpu.memref_squeeze %dma_start3A_291 : memref<1x128xi32, #tpu.memory_space<hbm>> -> memref<128xi32, #tpu.memory_space<hbm>>
        tpu.enqueue_dma source(%dma_start3A_292 : memref<128xi32, #tpu.memory_space<hbm>>) target(%dma_start3A_290 : memref<128xi32, #tpu.memory_space<vmem>>) target_semaphore(%arg15 : memref<!tpu.dma_semaphore, #tpu.memory_space<semaphore_mem>>)
      } else {
      }
      %dma_wait3A_215 = arith.constant 0 : i32
      %dma_wait3A_216 = arith.constant 0 : i32
      %dma_wait3A_217 = tpu.memref_slice %arg10[%dma_wait3A_215, %dma_wait3A_216] : memref<2x128xi32, #tpu.memory_space<vmem>> -> memref<1x128xi32, #tpu.memory_space<vmem>>
      %dma_wait3A_218 = tpu.memref_squeeze %dma_wait3A_217 : memref<1x128xi32, #tpu.memory_space<vmem>> -> memref<128xi32, #tpu.memory_space<vmem>>
      %dma_wait3A_219 = arith.constant 0 : i32
      %dma_wait3A_220 = arith.constant 0 : i32
      %dma_wait3A_221 = tpu.memref_slice %arg6[%dma_wait3A_219, %dma_wait3A_220] : memref<10240x64xf32, #tpu.memory_space<vmem_shared>> -> memref<10240x64xf32, #tpu.memory_space<vmem_shared>>
      tpu.wait_indirect_dma semaphore(%arg19 : memref<!tpu.dma_semaphore, #tpu.memory_space<semaphore_mem>>) src(%dma_wait3A_221 : memref<10240x64xf32, #tpu.memory_space<vmem_shared>>) dst(%arg12 : memref<128x64xf32, #tpu.memory_space<vmem>>)
      %add3A_222 = arith.constant 1 : i32
      %add3A_223 = arith.addi %add3A_207, %add3A_222 : i32
      %lt3A_224 = arith.constant 156 : i32
      %lt3A_225 = arith.cmpi slt, %add3A_223, %lt3A_224 : i32
      %convert_element_type3A_226 = arith.extui %lt3A_225 : i1 to i32
      %cond3A_227 = arith.constant 0 : i32
      %cond3A_228 = arith.cmpi ne, %convert_element_type3A_226, %cond3A_227 : i32
      scf.if %cond3A_228 {
        %dma_wait3A_264 = arith.constant 0 : i32
        %dma_wait3A_265 = arith.constant 0 : i32
        %dma_wait3A_266 = arith.constant 0 : i32
        %dma_wait3A_267 = tpu.memref_slice %arg11[%dma_wait3A_265, %dma_wait3A_266] : memref<2x128xi32, #tpu.memory_space<vmem>> -> memref<1x128xi32, #tpu.memory_space<vmem>>
        %dma_wait3A_268 = tpu.memref_squeeze %dma_wait3A_267 : memref<1x128xi32, #tpu.memory_space<vmem>> -> memref<128xi32, #tpu.memory_space<vmem>>
        %dma_wait3A_269 = arith.constant 0 : i32
        %dma_wait3A_270 = tpu.memref_slice %arg3[%dma_wait3A_264, %dma_wait3A_269] : memref<2x320000xi32, #tpu.memory_space<hbm>> -> memref<1x128xi32, #tpu.memory_space<hbm>>
        %dma_wait3A_271 = tpu.memref_squeeze %dma_wait3A_270 : memref<1x128xi32, #tpu.memory_space<hbm>> -> memref<128xi32, #tpu.memory_space<hbm>>
        %dma_wait3A_272 = arith.constant 0 : i32
        %dma_wait3A_273 = tpu.memref_slice %arg11[%dma_wait3A_265, %dma_wait3A_272] : memref<2x128xi32, #tpu.memory_space<vmem>> -> memref<1x128xi32, #tpu.memory_space<vmem>>
        %dma_wait3A_274 = tpu.memref_squeeze %dma_wait3A_273 : memref<1x128xi32, #tpu.memory_space<vmem>> -> memref<128xi32, #tpu.memory_space<vmem>>
        %dma_wait3A_275 = arith.constant 0 : i32
        %dma_wait3A_276 = tpu.memref_slice %arg3[%dma_wait3A_264, %dma_wait3A_275] : memref<2x320000xi32, #tpu.memory_space<hbm>> -> memref<1x128xi32, #tpu.memory_space<hbm>>
        %dma_wait3A_277 = tpu.memref_squeeze %dma_wait3A_276 : memref<1x128xi32, #tpu.memory_space<hbm>> -> memref<128xi32, #tpu.memory_space<hbm>>
        tpu.wait_dma2 semaphore(%arg18 : memref<!tpu.dma_semaphore, #tpu.memory_space<semaphore_mem>>) src(%dma_wait3A_277 : memref<128xi32, #tpu.memory_space<hbm>>) dst(%dma_wait3A_274 : memref<128xi32, #tpu.memory_space<vmem>>)
        %dma_wait3A_278 = arith.constant 1 : i32
        %dma_wait3A_279 = arith.constant 1 : i32
        %dma_wait3A_280 = arith.constant 0 : i32
        %dma_wait3A_281 = tpu.memref_slice %arg11[%dma_wait3A_279, %dma_wait3A_280] : memref<2x128xi32, #tpu.memory_space<vmem>> -> memref<1x128xi32, #tpu.memory_space<vmem>>
        %dma_wait3A_282 = tpu.memref_squeeze %dma_wait3A_281 : memref<1x128xi32, #tpu.memory_space<vmem>> -> memref<128xi32, #tpu.memory_space<vmem>>
        %dma_wait3A_283 = arith.constant 0 : i32
        %dma_wait3A_284 = tpu.memref_slice %arg3[%dma_wait3A_278, %dma_wait3A_283] : memref<2x320000xi32, #tpu.memory_space<hbm>> -> memref<1x128xi32, #tpu.memory_space<hbm>>
        %dma_wait3A_285 = tpu.memref_squeeze %dma_wait3A_284 : memref<1x128xi32, #tpu.memory_space<hbm>> -> memref<128xi32, #tpu.memory_space<hbm>>
        %dma_wait3A_286 = arith.constant 0 : i32
        %dma_wait3A_287 = tpu.memref_slice %arg11[%dma_wait3A_279, %dma_wait3A_286] : memref<2x128xi32, #tpu.memory_space<vmem>> -> memref<1x128xi32, #tpu.memory_space<vmem>>
        %dma_wait3A_288 = tpu.memref_squeeze %dma_wait3A_287 : memref<1x128xi32, #tpu.memory_space<vmem>> -> memref<128xi32, #tpu.memory_space<vmem>>
        %dma_wait3A_289 = arith.constant 0 : i32
        %dma_wait3A_290 = tpu.memref_slice %arg3[%dma_wait3A_278, %dma_wait3A_289] : memref<2x320000xi32, #tpu.memory_space<hbm>> -> memref<1x128xi32, #tpu.memory_space<hbm>>
        %dma_wait3A_291 = tpu.memref_squeeze %dma_wait3A_290 : memref<1x128xi32, #tpu.memory_space<hbm>> -> memref<128xi32, #tpu.memory_space<hbm>>
        tpu.wait_dma2 semaphore(%arg18 : memref<!tpu.dma_semaphore, #tpu.memory_space<semaphore_mem>>) src(%dma_wait3A_291 : memref<128xi32, #tpu.memory_space<hbm>>) dst(%dma_wait3A_288 : memref<128xi32, #tpu.memory_space<vmem>>)
        %dma_start3A_292 = arith.constant 0 : i32
        %dma_start3A_293 = arith.constant 0 : i32
        %dma_start3A_294 = tpu.memref_slice %arg11[%dma_start3A_292, %dma_start3A_293] : memref<2x128xi32, #tpu.memory_space<vmem>> -> memref<1x128xi32, #tpu.memory_space<vmem>>
        %dma_start3A_295 = tpu.memref_squeeze %dma_start3A_294 : memref<1x128xi32, #tpu.memory_space<vmem>> -> memref<128xi32, #tpu.memory_space<vmem>>
        %dma_start3A_296 = arith.constant 0 : i32
        %dma_start3A_297 = arith.constant 0 : i32
        %dma_start3A_298 = tpu.memref_slice %arg6[%dma_start3A_296, %dma_start3A_297] : memref<10240x64xf32, #tpu.memory_space<vmem_shared>> -> memref<10240x64xf32, #tpu.memory_space<vmem_shared>>
        tpu.enqueue_indirect_dma source(%dma_start3A_298 : memref<10240x64xf32, #tpu.memory_space<vmem_shared>>) target(%arg13 : memref<128x64xf32, #tpu.memory_space<vmem>>) offsets(%dma_start3A_295 : memref<128xi32, #tpu.memory_space<vmem>>) semaphore(%arg20 : memref<!tpu.dma_semaphore, #tpu.memory_space<semaphore_mem>>)
      } else {
      }
      %run_scoped3A_229 = arith.constant 1 : i32
      "tpu.region"() ({
        %run_scoped3A_264 = tpu.sem_alloc : memref<!tpu.dma_semaphore, #tpu.memory_space<semaphore_mem>>
        %dma_start3A_265 = arith.constant 0 : i32
        %dma_start3A_266 = tpu.memref_slice %arg10[%run_scoped3A_229, %dma_start3A_265] : memref<2x128xi32, #tpu.memory_space<vmem>> -> memref<1x128xi32, #tpu.memory_space<vmem>>
        %dma_start3A_267 = tpu.memref_squeeze %dma_start3A_266 : memref<1x128xi32, #tpu.memory_space<vmem>> -> memref<128xi32, #tpu.memory_space<vmem>>
        %dma_start3A_268 = arith.constant 0 : i32
        %dma_start3A_269 = arith.constant 0 : i32
        %dma_start3A_270 = tpu.memref_slice %arg7[%dma_start3A_268, %dma_start3A_269] : memref<10240x64xf32, #tpu.memory_space<vmem_shared>> -> memref<10240x64xf32, #tpu.memory_space<vmem_shared>>
        tpu.enqueue_indirect_dma source(%arg12 : memref<128x64xf32, #tpu.memory_space<vmem>>) target(%dma_start3A_270 : memref<10240x64xf32, #tpu.memory_space<vmem_shared>>) offsets(%dma_start3A_267 : memref<128xi32, #tpu.memory_space<vmem>>) semaphore(%run_scoped3A_264 : memref<!tpu.dma_semaphore, #tpu.memory_space<semaphore_mem>>) {add = true}
        %dma_wait3A_271 = arith.constant 0 : i32
        %dma_wait3A_272 = tpu.memref_slice %arg10[%run_scoped3A_229, %dma_wait3A_271] : memref<2x128xi32, #tpu.memory_space<vmem>> -> memref<1x128xi32, #tpu.memory_space<vmem>>
        %dma_wait3A_273 = tpu.memref_squeeze %dma_wait3A_272 : memref<1x128xi32, #tpu.memory_space<vmem>> -> memref<128xi32, #tpu.memory_space<vmem>>
        %dma_wait3A_274 = arith.constant 0 : i32
        %dma_wait3A_275 = arith.constant 0 : i32
        %dma_wait3A_276 = tpu.memref_slice %arg7[%dma_wait3A_274, %dma_wait3A_275] : memref<10240x64xf32, #tpu.memory_space<vmem_shared>> -> memref<10240x64xf32, #tpu.memory_space<vmem_shared>>
        tpu.wait_indirect_dma semaphore(%run_scoped3A_264 : memref<!tpu.dma_semaphore, #tpu.memory_space<semaphore_mem>>) src(%arg12 : memref<128x64xf32, #tpu.memory_space<vmem>>) dst(%dma_wait3A_276 : memref<10240x64xf32, #tpu.memory_space<vmem_shared>>)
        tpu.yield
      }) : () -> ()
      %eq3A_230 = arith.constant 0 : i32
      %eq3A_231 = arith.cmpi eq, %arg0, %eq3A_230 : i32
      %convert_element_type3A_232 = arith.extui %eq3A_231 : i1 to i32
      %cond3A_233 = arith.constant 0 : i32
      %cond3A_234 = arith.cmpi ne, %convert_element_type3A_232, %cond3A_233 : i32
      scf.if %cond3A_234 {
        %scan3A_264 = arith.constant 0 : i32
        %scan3A_265 = arith.constant 8 : i32
        %scan3A_266 = arith.addi %scan3A_264, %scan3A_265 : i32
        %scan3A_267 = arith.constant 1 : i32
        scf.for %scan3A_269 = %scan3A_264 to %scan3A_266 step %scan3A_267  : i32 {
          %mul3A_270 = arith.constant 16 : i32
          %mul3A_271 = arith.muli %scan3A_269, %mul3A_270 : i32
          %add3A_272 = arith.constant 0 : i32
          %add3A_273 = arith.addi %add3A_272, %mul3A_271 : i32
          %get3A = arith.constant 1 : i32
          %get3A_274 = arith.index_cast %get3A : i32 to index
          %get3A_275 = arith.index_cast %add3A_273 : i32 to index
          %get3A_276 = tpu.vector_load %arg10[%get3A_274, %get3A_275] {strides = array<i32>} : memref<2x128xi32, #tpu.memory_space<vmem>>, vector<16xi32>,
          tpu.vector_store_idx %arg14[%get3A_276], %broadcast_in_dim3A_29 {add = true} : memref<10240xf32, #tpu.memory_space<vmem>>[vector<16xi32>], vector<16xf32>,
        }
        %scan3A_268 = arith.constant 8 : i32
      } else {
      }
      %add3A_235 = arith.constant 3 : i32
      %add3A_236 = arith.addi %add3A_147, %add3A_235 : i32
      %add3A_237 = arith.constant 2 : i32
      %add3A_238 = arith.addi %add3A_236, %add3A_237 : i32
      %lt3A_239 = arith.constant 156 : i32
      %lt3A_240 = arith.cmpi slt, %add3A_238, %lt3A_239 : i32
      %convert_element_type3A_241 = arith.extui %lt3A_240 : i1 to i32
      %cond3A_242 = arith.constant 0 : i32
      %cond3A_243 = arith.cmpi ne, %convert_element_type3A_241, %cond3A_242 : i32
      scf.if %cond3A_243 {
        %add3A_264 = arith.constant 2 : i32
        %add3A_265 = arith.addi %add3A_236, %add3A_264 : i32
        %mul3A_266 = arith.constant 128 : i32
        %mul3A_267 = arith.muli %add3A_265, %mul3A_266 : i32
        %add3A_268 = arith.addi %mul3A_0, %mul3A_267 : i32
        %dma_start3A_269 = arith.constant 0 : i32
        %dma_start3A_270 = arith.constant 0 : i32
        %dma_start3A_271 = arith.constant 0 : i32
        %dma_start3A_272 = tpu.memref_slice %arg9[%dma_start3A_270, %dma_start3A_271] : memref<2x128xi32, #tpu.memory_space<vmem>> -> memref<1x128xi32, #tpu.memory_space<vmem>>
        %dma_start3A_273 = tpu.memref_squeeze %dma_start3A_272 : memref<1x128xi32, #tpu.memory_space<vmem>> -> memref<128xi32, #tpu.memory_space<vmem>>
        %dma_start3A_274 = tpu.memref_slice %arg3[%dma_start3A_269, %add3A_268] : memref<2x320000xi32, #tpu.memory_space<hbm>> -> memref<1x128xi32, #tpu.memory_space<hbm>>
        %dma_start3A_275 = tpu.memref_squeeze %dma_start3A_274 : memref<1x128xi32, #tpu.memory_space<hbm>> -> memref<128xi32, #tpu.memory_space<hbm>>
        %dma_start3A_276 = arith.constant 0 : i32
        %dma_start3A_277 = tpu.memref_slice %arg9[%dma_start3A_270, %dma_start3A_276] : memref<2x128xi32, #tpu.memory_space<vmem>> -> memref<1x128xi32, #tpu.memory_space<vmem>>
        %dma_start3A_278 = tpu.memref_squeeze %dma_start3A_277 : memref<1x128xi32, #tpu.memory_space<vmem>> -> memref<128xi32, #tpu.memory_space<vmem>>
        %dma_start3A_279 = tpu.memref_slice %arg3[%dma_start3A_269, %add3A_268] : memref<2x320000xi32, #tpu.memory_space<hbm>> -> memref<1x128xi32, #tpu.memory_space<hbm>>
        %dma_start3A_280 = tpu.memref_squeeze %dma_start3A_279 : memref<1x128xi32, #tpu.memory_space<hbm>> -> memref<128xi32, #tpu.memory_space<hbm>>
        tpu.enqueue_dma source(%dma_start3A_280 : memref<128xi32, #tpu.memory_space<hbm>>) target(%dma_start3A_278 : memref<128xi32, #tpu.memory_space<vmem>>) target_semaphore(%arg16 : memref<!tpu.dma_semaphore, #tpu.memory_space<semaphore_mem>>)
        %dma_start3A_281 = arith.constant 1 : i32
        %dma_start3A_282 = arith.constant 1 : i32
        %dma_start3A_283 = arith.constant 0 : i32
        %dma_start3A_284 = tpu.memref_slice %arg9[%dma_start3A_282, %dma_start3A_283] : memref<2x128xi32, #tpu.memory_space<vmem>> -> memref<1x128xi32, #tpu.memory_space<vmem>>
        %dma_start3A_285 = tpu.memref_squeeze %dma_start3A_284 : memref<1x128xi32, #tpu.memory_space<vmem>> -> memref<128xi32, #tpu.memory_space<vmem>>
        %dma_start3A_286 = tpu.memref_slice %arg3[%dma_start3A_281, %add3A_268] : memref<2x320000xi32, #tpu.memory_space<hbm>> -> memref<1x128xi32, #tpu.memory_space<hbm>>
        %dma_start3A_287 = tpu.memref_squeeze %dma_start3A_286 : memref<1x128xi32, #tpu.memory_space<hbm>> -> memref<128xi32, #tpu.memory_space<hbm>>
        %dma_start3A_288 = arith.constant 0 : i32
        %dma_start3A_289 = tpu.memref_slice %arg9[%dma_start3A_282, %dma_start3A_288] : memref<2x128xi32, #tpu.memory_space<vmem>> -> memref<1x128xi32, #tpu.memory_space<vmem>>
        %dma_start3A_290 = tpu.memref_squeeze %dma_start3A_289 : memref<1x128xi32, #tpu.memory_space<vmem>> -> memref<128xi32, #tpu.memory_space<vmem>>
        %dma_start3A_291 = tpu.memref_slice %arg3[%dma_start3A_281, %add3A_268] : memref<2x320000xi32, #tpu.memory_space<hbm>> -> memref<1x128xi32, #tpu.memory_space<hbm>>
        %dma_start3A_292 = tpu.memref_squeeze %dma_start3A_291 : memref<1x128xi32, #tpu.memory_space<hbm>> -> memref<128xi32, #tpu.memory_space<hbm>>
        tpu.enqueue_dma source(%dma_start3A_292 : memref<128xi32, #tpu.memory_space<hbm>>) target(%dma_start3A_290 : memref<128xi32, #tpu.memory_space<vmem>>) target_semaphore(%arg16 : memref<!tpu.dma_semaphore, #tpu.memory_space<semaphore_mem>>)
      } else {
      }
      %dma_wait3A_244 = arith.constant 0 : i32
      %dma_wait3A_245 = arith.constant 0 : i32
      %dma_wait3A_246 = tpu.memref_slice %arg11[%dma_wait3A_244, %dma_wait3A_245] : memref<2x128xi32, #tpu.memory_space<vmem>> -> memref<1x128xi32, #tpu.memory_space<vmem>>
      %dma_wait3A_247 = tpu.memref_squeeze %dma_wait3A_246 : memref<1x128xi32, #tpu.memory_space<vmem>> -> memref<128xi32, #tpu.memory_space<vmem>>
      %dma_wait3A_248 = arith.constant 0 : i32
      %dma_wait3A_249 = arith.constant 0 : i32
      %dma_wait3A_250 = tpu.memref_slice %arg6[%dma_wait3A_248, %dma_wait3A_249] : memref<10240x64xf32, #tpu.memory_space<vmem_shared>> -> memref<10240x64xf32, #tpu.memory_space<vmem_shared>>
      tpu.wait_indirect_dma semaphore(%arg20 : memref<!tpu.dma_semaphore, #tpu.memory_space<semaphore_mem>>) src(%dma_wait3A_250 : memref<10240x64xf32, #tpu.memory_space<vmem_shared>>) dst(%arg13 : memref<128x64xf32, #tpu.memory_space<vmem>>)
      %add3A_251 = arith.constant 1 : i32
      %add3A_252 = arith.addi %add3A_236, %add3A_251 : i32
      %lt3A_253 = arith.constant 156 : i32
      %lt3A_254 = arith.cmpi slt, %add3A_252, %lt3A_253 : i32
      %convert_element_type3A_255 = arith.extui %lt3A_254 : i1 to i32
      %cond3A_256 = arith.constant 0 : i32
      %cond3A_257 = arith.cmpi ne, %convert_element_type3A_255, %cond3A_256 : i32
      scf.if %cond3A_257 {
        %dma_wait3A_264 = arith.constant 0 : i32
        %dma_wait3A_265 = arith.constant 0 : i32
        %dma_wait3A_266 = arith.constant 0 : i32
        %dma_wait3A_267 = tpu.memref_slice %arg8[%dma_wait3A_265, %dma_wait3A_266] : memref<2x128xi32, #tpu.memory_space<vmem>> -> memref<1x128xi32, #tpu.memory_space<vmem>>
        %dma_wait3A_268 = tpu.memref_squeeze %dma_wait3A_267 : memref<1x128xi32, #tpu.memory_space<vmem>> -> memref<128xi32, #tpu.memory_space<vmem>>
        %dma_wait3A_269 = arith.constant 0 : i32
        %dma_wait3A_270 = tpu.memref_slice %arg3[%dma_wait3A_264, %dma_wait3A_269] : memref<2x320000xi32, #tpu.memory_space<hbm>> -> memref<1x128xi32, #tpu.memory_space<hbm>>
        %dma_wait3A_271 = tpu.memref_squeeze %dma_wait3A_270 : memref<1x128xi32, #tpu.memory_space<hbm>> -> memref<128xi32, #tpu.memory_space<hbm>>
        %dma_wait3A_272 = arith.constant 0 : i32
        %dma_wait3A_273 = tpu.memref_slice %arg8[%dma_wait3A_265, %dma_wait3A_272] : memref<2x128xi32, #tpu.memory_space<vmem>> -> memref<1x128xi32, #tpu.memory_space<vmem>>
        %dma_wait3A_274 = tpu.memref_squeeze %dma_wait3A_273 : memref<1x128xi32, #tpu.memory_space<vmem>> -> memref<128xi32, #tpu.memory_space<vmem>>
        %dma_wait3A_275 = arith.constant 0 : i32
        %dma_wait3A_276 = tpu.memref_slice %arg3[%dma_wait3A_264, %dma_wait3A_275] : memref<2x320000xi32, #tpu.memory_space<hbm>> -> memref<1x128xi32, #tpu.memory_space<hbm>>
        %dma_wait3A_277 = tpu.memref_squeeze %dma_wait3A_276 : memref<1x128xi32, #tpu.memory_space<hbm>> -> memref<128xi32, #tpu.memory_space<hbm>>
        tpu.wait_dma2 semaphore(%arg15 : memref<!tpu.dma_semaphore, #tpu.memory_space<semaphore_mem>>) src(%dma_wait3A_277 : memref<128xi32, #tpu.memory_space<hbm>>) dst(%dma_wait3A_274 : memref<128xi32, #tpu.memory_space<vmem>>)
        %dma_wait3A_278 = arith.constant 1 : i32
        %dma_wait3A_279 = arith.constant 1 : i32
        %dma_wait3A_280 = arith.constant 0 : i32
        %dma_wait3A_281 = tpu.memref_slice %arg8[%dma_wait3A_279, %dma_wait3A_280] : memref<2x128xi32, #tpu.memory_space<vmem>> -> memref<1x128xi32, #tpu.memory_space<vmem>>
        %dma_wait3A_282 = tpu.memref_squeeze %dma_wait3A_281 : memref<1x128xi32, #tpu.memory_space<vmem>> -> memref<128xi32, #tpu.memory_space<vmem>>
        %dma_wait3A_283 = arith.constant 0 : i32
        %dma_wait3A_284 = tpu.memref_slice %arg3[%dma_wait3A_278, %dma_wait3A_283] : memref<2x320000xi32, #tpu.memory_space<hbm>> -> memref<1x128xi32, #tpu.memory_space<hbm>>
        %dma_wait3A_285 = tpu.memref_squeeze %dma_wait3A_284 : memref<1x128xi32, #tpu.memory_space<hbm>> -> memref<128xi32, #tpu.memory_space<hbm>>
        %dma_wait3A_286 = arith.constant 0 : i32
        %dma_wait3A_287 = tpu.memref_slice %arg8[%dma_wait3A_279, %dma_wait3A_286] : memref<2x128xi32, #tpu.memory_space<vmem>> -> memref<1x128xi32, #tpu.memory_space<vmem>>
        %dma_wait3A_288 = tpu.memref_squeeze %dma_wait3A_287 : memref<1x128xi32, #tpu.memory_space<vmem>> -> memref<128xi32, #tpu.memory_space<vmem>>
        %dma_wait3A_289 = arith.constant 0 : i32
        %dma_wait3A_290 = tpu.memref_slice %arg3[%dma_wait3A_278, %dma_wait3A_289] : memref<2x320000xi32, #tpu.memory_space<hbm>> -> memref<1x128xi32, #tpu.memory_space<hbm>>
        %dma_wait3A_291 = tpu.memref_squeeze %dma_wait3A_290 : memref<1x128xi32, #tpu.memory_space<hbm>> -> memref<128xi32, #tpu.memory_space<hbm>>
        tpu.wait_dma2 semaphore(%arg15 : memref<!tpu.dma_semaphore, #tpu.memory_space<semaphore_mem>>) src(%dma_wait3A_291 : memref<128xi32, #tpu.memory_space<hbm>>) dst(%dma_wait3A_288 : memref<128xi32, #tpu.memory_space<vmem>>)
        %dma_start3A_292 = arith.constant 0 : i32
        %dma_start3A_293 = arith.constant 0 : i32
        %dma_start3A_294 = tpu.memref_slice %arg8[%dma_start3A_292, %dma_start3A_293] : memref<2x128xi32, #tpu.memory_space<vmem>> -> memref<1x128xi32, #tpu.memory_space<vmem>>
        %dma_start3A_295 = tpu.memref_squeeze %dma_start3A_294 : memref<1x128xi32, #tpu.memory_space<vmem>> -> memref<128xi32, #tpu.memory_space<vmem>>
        %dma_start3A_296 = arith.constant 0 : i32
        %dma_start3A_297 = arith.constant 0 : i32
        %dma_start3A_298 = tpu.memref_slice %arg6[%dma_start3A_296, %dma_start3A_297] : memref<10240x64xf32, #tpu.memory_space<vmem_shared>> -> memref<10240x64xf32, #tpu.memory_space<vmem_shared>>
        tpu.enqueue_indirect_dma source(%dma_start3A_298 : memref<10240x64xf32, #tpu.memory_space<vmem_shared>>) target(%arg12 : memref<128x64xf32, #tpu.memory_space<vmem>>) offsets(%dma_start3A_295 : memref<128xi32, #tpu.memory_space<vmem>>) semaphore(%arg19 : memref<!tpu.dma_semaphore, #tpu.memory_space<semaphore_mem>>)
      } else {
      }
      %run_scoped3A_258 = arith.constant 1 : i32
      "tpu.region"() ({
        %run_scoped3A_264 = tpu.sem_alloc : memref<!tpu.dma_semaphore, #tpu.memory_space<semaphore_mem>>
        %dma_start3A_265 = arith.constant 0 : i32
        %dma_start3A_266 = tpu.memref_slice %arg11[%run_scoped3A_258, %dma_start3A_265] : memref<2x128xi32, #tpu.memory_space<vmem>> -> memref<1x128xi32, #tpu.memory_space<vmem>>
        %dma_start3A_267 = tpu.memref_squeeze %dma_start3A_266 : memref<1x128xi32, #tpu.memory_space<vmem>> -> memref<128xi32, #tpu.memory_space<vmem>>
        %dma_start3A_268 = arith.constant 0 : i32
        %dma_start3A_269 = arith.constant 0 : i32
        %dma_start3A_270 = tpu.memref_slice %arg7[%dma_start3A_268, %dma_start3A_269] : memref<10240x64xf32, #tpu.memory_space<vmem_shared>> -> memref<10240x64xf32, #tpu.memory_space<vmem_shared>>
        tpu.enqueue_indirect_dma source(%arg13 : memref<128x64xf32, #tpu.memory_space<vmem>>) target(%dma_start3A_270 : memref<10240x64xf32, #tpu.memory_space<vmem_shared>>) offsets(%dma_start3A_267 : memref<128xi32, #tpu.memory_space<vmem>>) semaphore(%run_scoped3A_264 : memref<!tpu.dma_semaphore, #tpu.memory_space<semaphore_mem>>) {add = true}
        %dma_wait3A_271 = arith.constant 0 : i32
        %dma_wait3A_272 = tpu.memref_slice %arg11[%run_scoped3A_258, %dma_wait3A_271] : memref<2x128xi32, #tpu.memory_space<vmem>> -> memref<1x128xi32, #tpu.memory_space<vmem>>
        %dma_wait3A_273 = tpu.memref_squeeze %dma_wait3A_272 : memref<1x128xi32, #tpu.memory_space<vmem>> -> memref<128xi32, #tpu.memory_space<vmem>>
        %dma_wait3A_274 = arith.constant 0 : i32
        %dma_wait3A_275 = arith.constant 0 : i32
        %dma_wait3A_276 = tpu.memref_slice %arg7[%dma_wait3A_274, %dma_wait3A_275] : memref<10240x64xf32, #tpu.memory_space<vmem_shared>> -> memref<10240x64xf32, #tpu.memory_space<vmem_shared>>
        tpu.wait_indirect_dma semaphore(%run_scoped3A_264 : memref<!tpu.dma_semaphore, #tpu.memory_space<semaphore_mem>>) src(%arg13 : memref<128x64xf32, #tpu.memory_space<vmem>>) dst(%dma_wait3A_276 : memref<10240x64xf32, #tpu.memory_space<vmem_shared>>)
        tpu.yield
      }) : () -> ()
      %eq3A_259 = arith.constant 0 : i32
      %eq3A_260 = arith.cmpi eq, %arg0, %eq3A_259 : i32
      %convert_element_type3A_261 = arith.extui %eq3A_260 : i1 to i32
      %cond3A_262 = arith.constant 0 : i32
      %cond3A_263 = arith.cmpi ne, %convert_element_type3A_261, %cond3A_262 : i32
      scf.if %cond3A_263 {
        %scan3A_264 = arith.constant 0 : i32
        %scan3A_265 = arith.constant 8 : i32
        %scan3A_266 = arith.addi %scan3A_264, %scan3A_265 : i32
        %scan3A_267 = arith.constant 1 : i32
        scf.for %scan3A_269 = %scan3A_264 to %scan3A_266 step %scan3A_267  : i32 {
          %mul3A_270 = arith.constant 16 : i32
          %mul3A_271 = arith.muli %scan3A_269, %mul3A_270 : i32
          %add3A_272 = arith.constant 0 : i32
          %add3A_273 = arith.addi %add3A_272, %mul3A_271 : i32
          %get3A = arith.constant 1 : i32
          %get3A_274 = arith.index_cast %get3A : i32 to index
          %get3A_275 = arith.index_cast %add3A_273 : i32 to index
          %get3A_276 = tpu.vector_load %arg11[%get3A_274, %get3A_275] {strides = array<i32>} : memref<2x128xi32, #tpu.memory_space<vmem>>, vector<16xi32>,
          tpu.vector_store_idx %arg14[%get3A_276], %broadcast_in_dim3A_29 {add = true} : memref<10240xf32, #tpu.memory_space<vmem>>[vector<16xi32>], vector<16xf32>,
        }
        %scan3A_268 = arith.constant 8 : i32
      } else {
      }
    }
    %scan3A_119 = arith.constant 39 : i32
    %add3A_120 = arith.constant 19968 : i32
    %add3A_121 = arith.addi %mul3A_0, %add3A_120 : i32
    %run_scoped3A = arith.constant 0 : i32
    %run_scoped3A_122 = arith.constant 0 : i32
    "tpu.region"() ({
      %run_scoped3A_143 = tpu.sem_alloc : memref<!tpu.dma_semaphore, #tpu.memory_space<semaphore_mem>>
      %dma_start3A_144 = arith.constant 0 : i32
      %dma_start3A_145 = tpu.memref_slice %arg8[%run_scoped3A_122, %dma_start3A_144] : memref<2x128xi32, #tpu.memory_space<vmem>> -> memref<1x32xi32, #tpu.memory_space<vmem>>
      %dma_start3A_146 = tpu.memref_squeeze %dma_start3A_145 : memref<1x32xi32, #tpu.memory_space<vmem>> -> memref<32xi32, #tpu.memory_space<vmem>>
      %dma_start3A_147 = tpu.memref_slice %arg3[%run_scoped3A, %add3A_121] : memref<2x320000xi32, #tpu.memory_space<hbm>> -> memref<1x32xi32, #tpu.memory_space<hbm>>
      %dma_start3A_148 = tpu.memref_squeeze %dma_start3A_147 : memref<1x32xi32, #tpu.memory_space<hbm>> -> memref<32xi32, #tpu.memory_space<hbm>>
      %dma_start3A_149 = arith.constant 0 : i32
      %dma_start3A_150 = tpu.memref_slice %arg8[%run_scoped3A_122, %dma_start3A_149] : memref<2x128xi32, #tpu.memory_space<vmem>> -> memref<1x32xi32, #tpu.memory_space<vmem>>
      %dma_start3A_151 = tpu.memref_squeeze %dma_start3A_150 : memref<1x32xi32, #tpu.memory_space<vmem>> -> memref<32xi32, #tpu.memory_space<vmem>>
      %dma_start3A_152 = tpu.memref_slice %arg3[%run_scoped3A, %add3A_121] : memref<2x320000xi32, #tpu.memory_space<hbm>> -> memref<1x32xi32, #tpu.memory_space<hbm>>
      %dma_start3A_153 = tpu.memref_squeeze %dma_start3A_152 : memref<1x32xi32, #tpu.memory_space<hbm>> -> memref<32xi32, #tpu.memory_space<hbm>>
      tpu.enqueue_dma source(%dma_start3A_153 : memref<32xi32, #tpu.memory_space<hbm>>) target(%dma_start3A_151 : memref<32xi32, #tpu.memory_space<vmem>>) target_semaphore(%run_scoped3A_143 : memref<!tpu.dma_semaphore, #tpu.memory_space<semaphore_mem>>)
      %dma_wait3A_154 = arith.constant 0 : i32
      %dma_wait3A_155 = tpu.memref_slice %arg8[%run_scoped3A_122, %dma_wait3A_154] : memref<2x128xi32, #tpu.memory_space<vmem>> -> memref<1x32xi32, #tpu.memory_space<vmem>>
      %dma_wait3A_156 = tpu.memref_squeeze %dma_wait3A_155 : memref<1x32xi32, #tpu.memory_space<vmem>> -> memref<32xi32, #tpu.memory_space<vmem>>
      %dma_wait3A_157 = tpu.memref_slice %arg3[%run_scoped3A, %add3A_121] : memref<2x320000xi32, #tpu.memory_space<hbm>> -> memref<1x32xi32, #tpu.memory_space<hbm>>
      %dma_wait3A_158 = tpu.memref_squeeze %dma_wait3A_157 : memref<1x32xi32, #tpu.memory_space<hbm>> -> memref<32xi32, #tpu.memory_space<hbm>>
      %dma_wait3A_159 = arith.constant 0 : i32
      %dma_wait3A_160 = tpu.memref_slice %arg8[%run_scoped3A_122, %dma_wait3A_159] : memref<2x128xi32, #tpu.memory_space<vmem>> -> memref<1x32xi32, #tpu.memory_space<vmem>>
      %dma_wait3A_161 = tpu.memref_squeeze %dma_wait3A_160 : memref<1x32xi32, #tpu.memory_space<vmem>> -> memref<32xi32, #tpu.memory_space<vmem>>
      %dma_wait3A_162 = tpu.memref_slice %arg3[%run_scoped3A, %add3A_121] : memref<2x320000xi32, #tpu.memory_space<hbm>> -> memref<1x32xi32, #tpu.memory_space<hbm>>
      %dma_wait3A_163 = tpu.memref_squeeze %dma_wait3A_162 : memref<1x32xi32, #tpu.memory_space<hbm>> -> memref<32xi32, #tpu.memory_space<hbm>>
      tpu.wait_dma2 semaphore(%run_scoped3A_143 : memref<!tpu.dma_semaphore, #tpu.memory_space<semaphore_mem>>) src(%dma_wait3A_163 : memref<32xi32, #tpu.memory_space<hbm>>) dst(%dma_wait3A_161 : memref<32xi32, #tpu.memory_space<vmem>>)
      tpu.yield
    }) : () -> ()
    %run_scoped3A_123 = arith.constant 1 : i32
    %run_scoped3A_124 = arith.constant 1 : i32
    "tpu.region"() ({
      %run_scoped3A_143 = tpu.sem_alloc : memref<!tpu.dma_semaphore, #tpu.memory_space<semaphore_mem>>
      %dma_start3A_144 = arith.constant 0 : i32
      %dma_start3A_145 = tpu.memref_slice %arg8[%run_scoped3A_124, %dma_start3A_144] : memref<2x128xi32, #tpu.memory_space<vmem>> -> memref<1x32xi32, #tpu.memory_space<vmem>>
      %dma_start3A_146 = tpu.memref_squeeze %dma_start3A_145 : memref<1x32xi32, #tpu.memory_space<vmem>> -> memref<32xi32, #tpu.memory_space<vmem>>
      %dma_start3A_147 = tpu.memref_slice %arg3[%run_scoped3A_123, %add3A_121] : memref<2x320000xi32, #tpu.memory_space<hbm>> -> memref<1x32xi32, #tpu.memory_space<hbm>>
      %dma_start3A_148 = tpu.memref_squeeze %dma_start3A_147 : memref<1x32xi32, #tpu.memory_space<hbm>> -> memref<32xi32, #tpu.memory_space<hbm>>
      %dma_start3A_149 = arith.constant 0 : i32
      %dma_start3A_150 = tpu.memref_slice %arg8[%run_scoped3A_124, %dma_start3A_149] : memref<2x128xi32, #tpu.memory_space<vmem>> -> memref<1x32xi32, #tpu.memory_space<vmem>>
      %dma_start3A_151 = tpu.memref_squeeze %dma_start3A_150 : memref<1x32xi32, #tpu.memory_space<vmem>> -> memref<32xi32, #tpu.memory_space<vmem>>
      %dma_start3A_152 = tpu.memref_slice %arg3[%run_scoped3A_123, %add3A_121] : memref<2x320000xi32, #tpu.memory_space<hbm>> -> memref<1x32xi32, #tpu.memory_space<hbm>>
      %dma_start3A_153 = tpu.memref_squeeze %dma_start3A_152 : memref<1x32xi32, #tpu.memory_space<hbm>> -> memref<32xi32, #tpu.memory_space<hbm>>
      tpu.enqueue_dma source(%dma_start3A_153 : memref<32xi32, #tpu.memory_space<hbm>>) target(%dma_start3A_151 : memref<32xi32, #tpu.memory_space<vmem>>) target_semaphore(%run_scoped3A_143 : memref<!tpu.dma_semaphore, #tpu.memory_space<semaphore_mem>>)
      %dma_wait3A_154 = arith.constant 0 : i32
      %dma_wait3A_155 = tpu.memref_slice %arg8[%run_scoped3A_124, %dma_wait3A_154] : memref<2x128xi32, #tpu.memory_space<vmem>> -> memref<1x32xi32, #tpu.memory_space<vmem>>
      %dma_wait3A_156 = tpu.memref_squeeze %dma_wait3A_155 : memref<1x32xi32, #tpu.memory_space<vmem>> -> memref<32xi32, #tpu.memory_space<vmem>>
      %dma_wait3A_157 = tpu.memref_slice %arg3[%run_scoped3A_123, %add3A_121] : memref<2x320000xi32, #tpu.memory_space<hbm>> -> memref<1x32xi32, #tpu.memory_space<hbm>>
      %dma_wait3A_158 = tpu.memref_squeeze %dma_wait3A_157 : memref<1x32xi32, #tpu.memory_space<hbm>> -> memref<32xi32, #tpu.memory_space<hbm>>
      %dma_wait3A_159 = arith.constant 0 : i32
      %dma_wait3A_160 = tpu.memref_slice %arg8[%run_scoped3A_124, %dma_wait3A_159] : memref<2x128xi32, #tpu.memory_space<vmem>> -> memref<1x32xi32, #tpu.memory_space<vmem>>
      %dma_wait3A_161 = tpu.memref_squeeze %dma_wait3A_160 : memref<1x32xi32, #tpu.memory_space<vmem>> -> memref<32xi32, #tpu.memory_space<vmem>>
      %dma_wait3A_162 = tpu.memref_slice %arg3[%run_scoped3A_123, %add3A_121] : memref<2x320000xi32, #tpu.memory_space<hbm>> -> memref<1x32xi32, #tpu.memory_space<hbm>>
      %dma_wait3A_163 = tpu.memref_squeeze %dma_wait3A_162 : memref<1x32xi32, #tpu.memory_space<hbm>> -> memref<32xi32, #tpu.memory_space<hbm>>
      tpu.wait_dma2 semaphore(%run_scoped3A_143 : memref<!tpu.dma_semaphore, #tpu.memory_space<semaphore_mem>>) src(%dma_wait3A_163 : memref<32xi32, #tpu.memory_space<hbm>>) dst(%dma_wait3A_161 : memref<32xi32, #tpu.memory_space<vmem>>)
      tpu.yield
    }) : () -> ()
    %scan3A_125 = arith.constant 0 : i32
    %scan3A_126 = arith.constant 6 : i32
    %scan3A_127 = arith.addi %scan3A_125, %scan3A_126 : i32
    %scan3A_128 = arith.constant 1 : i32
    scf.for %scan3A_143 = %scan3A_125 to %scan3A_127 step %scan3A_128  : i32 {
      %mul3A_144 = arith.constant 16 : i32
      %mul3A_145 = arith.muli %scan3A_143, %mul3A_144 : i32
      %add3A_146 = arith.constant 32 : i32
      %add3A_147 = arith.addi %add3A_146, %mul3A_145 : i32
      %broadcast_in_dim3A_148 = arith.constant 0 : i32
      %broadcast_in_dim3A_149 = vector.broadcast %broadcast_in_dim3A_148 : i32 to vector<16xi32>
      %swap3A = arith.constant 0 : i32
      %swap3A_150 = arith.index_cast %swap3A : i32 to index
      %swap3A_151 = arith.index_cast %add3A_147 : i32 to index
      %swap3A_152 = tpu.vector_load %arg8[%swap3A_150, %swap3A_151] {strides = array<i32>} : memref<2x128xi32, #tpu.memory_space<vmem>>, vector<16xi32>,
      tpu.vector_store %arg8[%swap3A_150, %swap3A_151], %broadcast_in_dim3A_149 {strides = array<i32>} : memref<2x128xi32, #tpu.memory_space<vmem>>, vector<16xi32>,
      %broadcast_in_dim3A_153 = arith.constant 10000 : i32
      %broadcast_in_dim3A_154 = vector.broadcast %broadcast_in_dim3A_153 : i32 to vector<16xi32>
      %swap3A_155 = arith.constant 1 : i32
      %swap3A_156 = arith.index_cast %swap3A_155 : i32 to index
      %swap3A_157 = arith.index_cast %add3A_147 : i32 to index
      %swap3A_158 = tpu.vector_load %arg8[%swap3A_156, %swap3A_157] {strides = array<i32>} : memref<2x128xi32, #tpu.memory_space<vmem>>, vector<16xi32>,
      tpu.vector_store %arg8[%swap3A_156, %swap3A_157], %broadcast_in_dim3A_154 {strides = array<i32>} : memref<2x128xi32, #tpu.memory_space<vmem>>, vector<16xi32>,
    }
    %scan3A_129 = arith.constant 6 : i32
    %run_scoped3A_130 = arith.constant 0 : i32
    "tpu.region"() ({
      %run_scoped3A_143 = tpu.sem_alloc : memref<!tpu.dma_semaphore, #tpu.memory_space<semaphore_mem>>
      %dma_start3A_144 = arith.constant 0 : i32
      %dma_start3A_145 = tpu.memref_slice %arg8[%run_scoped3A_130, %dma_start3A_144] : memref<2x128xi32, #tpu.memory_space<vmem>> -> memref<1x128xi32, #tpu.memory_space<vmem>>
      %dma_start3A_146 = tpu.memref_squeeze %dma_start3A_145 : memref<1x128xi32, #tpu.memory_space<vmem>> -> memref<128xi32, #tpu.memory_space<vmem>>
      %dma_start3A_147 = arith.constant 0 : i32
      %dma_start3A_148 = arith.constant 0 : i32
      %dma_start3A_149 = tpu.memref_slice %arg6[%dma_start3A_147, %dma_start3A_148] : memref<10240x64xf32, #tpu.memory_space<vmem_shared>> -> memref<10240x64xf32, #tpu.memory_space<vmem_shared>>
      tpu.enqueue_indirect_dma source(%dma_start3A_149 : memref<10240x64xf32, #tpu.memory_space<vmem_shared>>) target(%arg12 : memref<128x64xf32, #tpu.memory_space<vmem>>) offsets(%dma_start3A_146 : memref<128xi32, #tpu.memory_space<vmem>>) semaphore(%run_scoped3A_143 : memref<!tpu.dma_semaphore, #tpu.memory_space<semaphore_mem>>)
      %dma_wait3A_150 = arith.constant 0 : i32
      %dma_wait3A_151 = tpu.memref_slice %arg8[%run_scoped3A_130, %dma_wait3A_150] : memref<2x128xi32, #tpu.memory_space<vmem>> -> memref<1x128xi32, #tpu.memory_space<vmem>>
      %dma_wait3A_152 = tpu.memref_squeeze %dma_wait3A_151 : memref<1x128xi32, #tpu.memory_space<vmem>> -> memref<128xi32, #tpu.memory_space<vmem>>
      %dma_wait3A_153 = arith.constant 0 : i32
      %dma_wait3A_154 = arith.constant 0 : i32
      %dma_wait3A_155 = tpu.memref_slice %arg6[%dma_wait3A_153, %dma_wait3A_154] : memref<10240x64xf32, #tpu.memory_space<vmem_shared>> -> memref<10240x64xf32, #tpu.memory_space<vmem_shared>>
      tpu.wait_indirect_dma semaphore(%run_scoped3A_143 : memref<!tpu.dma_semaphore, #tpu.memory_space<semaphore_mem>>) src(%dma_wait3A_155 : memref<10240x64xf32, #tpu.memory_space<vmem_shared>>) dst(%arg12 : memref<128x64xf32, #tpu.memory_space<vmem>>)
      tpu.yield
    }) : () -> ()
    %run_scoped3A_131 = arith.constant 1 : i32
    "tpu.region"() ({
      %run_scoped3A_143 = tpu.sem_alloc : memref<!tpu.dma_semaphore, #tpu.memory_space<semaphore_mem>>
      %dma_start3A_144 = arith.constant 0 : i32
      %dma_start3A_145 = tpu.memref_slice %arg8[%run_scoped3A_131, %dma_start3A_144] : memref<2x128xi32, #tpu.memory_space<vmem>> -> memref<1x128xi32, #tpu.memory_space<vmem>>
      %dma_start3A_146 = tpu.memref_squeeze %dma_start3A_145 : memref<1x128xi32, #tpu.memory_space<vmem>> -> memref<128xi32, #tpu.memory_space<vmem>>
      %dma_start3A_147 = arith.constant 0 : i32
      %dma_start3A_148 = arith.constant 0 : i32
      %dma_start3A_149 = tpu.memref_slice %arg7[%dma_start3A_147, %dma_start3A_148] : memref<10240x64xf32, #tpu.memory_space<vmem_shared>> -> memref<10240x64xf32, #tpu.memory_space<vmem_shared>>
      tpu.enqueue_indirect_dma source(%arg12 : memref<128x64xf32, #tpu.memory_space<vmem>>) target(%dma_start3A_149 : memref<10240x64xf32, #tpu.memory_space<vmem_shared>>) offsets(%dma_start3A_146 : memref<128xi32, #tpu.memory_space<vmem>>) semaphore(%run_scoped3A_143 : memref<!tpu.dma_semaphore, #tpu.memory_space<semaphore_mem>>) {add = true}
      %dma_wait3A_150 = arith.constant 0 : i32
      %dma_wait3A_151 = tpu.memref_slice %arg8[%run_scoped3A_131, %dma_wait3A_150] : memref<2x128xi32, #tpu.memory_space<vmem>> -> memref<1x128xi32, #tpu.memory_space<vmem>>
      %dma_wait3A_152 = tpu.memref_squeeze %dma_wait3A_151 : memref<1x128xi32, #tpu.memory_space<vmem>> -> memref<128xi32, #tpu.memory_space<vmem>>
      %dma_wait3A_153 = arith.constant 0 : i32
      %dma_wait3A_154 = arith.constant 0 : i32
      %dma_wait3A_155 = tpu.memref_slice %arg7[%dma_wait3A_153, %dma_wait3A_154] : memref<10240x64xf32, #tpu.memory_space<vmem_shared>> -> memref<10240x64xf32, #tpu.memory_space<vmem_shared>>
      tpu.wait_indirect_dma semaphore(%run_scoped3A_143 : memref<!tpu.dma_semaphore, #tpu.memory_space<semaphore_mem>>) src(%arg12 : memref<128x64xf32, #tpu.memory_space<vmem>>) dst(%dma_wait3A_155 : memref<10240x64xf32, #tpu.memory_space<vmem_shared>>)
      tpu.yield
    }) : () -> ()
    %eq3A_132 = arith.constant 0 : i32
    %eq3A_133 = arith.cmpi eq, %arg0, %eq3A_132 : i32
    %convert_element_type3A_134 = arith.extui %eq3A_133 : i1 to i32
    %cond3A_135 = arith.constant 0 : i32
    %cond3A_136 = arith.cmpi ne, %convert_element_type3A_134, %cond3A_135 : i32
    scf.if %cond3A_136 {
      %scan3A_143 = arith.constant 0 : i32
      %scan3A_144 = arith.constant 2 : i32
      %scan3A_145 = arith.addi %scan3A_143, %scan3A_144 : i32
      %scan3A_146 = arith.constant 1 : i32
      scf.for %scan3A_148 = %scan3A_143 to %scan3A_145 step %scan3A_146  : i32 {
        %mul3A_149 = arith.constant 16 : i32
        %mul3A_150 = arith.muli %scan3A_148, %mul3A_149 : i32
        %add3A_151 = arith.constant 0 : i32
        %add3A_152 = arith.addi %add3A_151, %mul3A_150 : i32
        %get3A = arith.constant 1 : i32
        %get3A_153 = arith.index_cast %get3A : i32 to index
        %get3A_154 = arith.index_cast %add3A_152 : i32 to index
        %get3A_155 = tpu.vector_load %arg8[%get3A_153, %get3A_154] {strides = array<i32>} : memref<2x128xi32, #tpu.memory_space<vmem>>, vector<16xi32>,
        tpu.vector_store_idx %arg14[%get3A_155], %broadcast_in_dim3A_29 {add = true} : memref<10240xf32, #tpu.memory_space<vmem>>[vector<16xi32>], vector<16xf32>,
      }
      %scan3A_147 = arith.constant 2 : i32
    } else {
    }
    %barrier3A_137 = arith.constant 0 : index
    tpu.barrier barrier_id(%barrier3A_137)
    "tpu.region"() ({
      %run_scoped3A_143 = tpu.sem_alloc : memref<!tpu.dma_semaphore, #tpu.memory_space<semaphore_mem>>
      %dma_start3A_144 = arith.constant 0 : i32
      %dma_start3A_145 = tpu.memref_slice %arg4[%arg0, %mul3A_19, %dma_start3A_144] : memref<2x10240x64xf32, #tpu.memory_space<hbm>> -> memref<1x640x64xf32, #tpu.memory_space<hbm>>
      %dma_start3A_146 = tpu.memref_squeeze %dma_start3A_145 : memref<1x640x64xf32, #tpu.memory_space<hbm>> -> memref<640x64xf32, #tpu.memory_space<hbm>>
      %dma_start3A_147 = arith.constant 0 : i32
      %dma_start3A_148 = tpu.memref_slice %arg7[%mul3A_19, %dma_start3A_147] : memref<10240x64xf32, #tpu.memory_space<vmem_shared>> -> memref<640x64xf32, #tpu.memory_space<vmem_shared>>
      tpu.enqueue_dma source(%dma_start3A_148 : memref<640x64xf32, #tpu.memory_space<vmem_shared>>) target(%dma_start3A_146 : memref<640x64xf32, #tpu.memory_space<hbm>>) target_semaphore(%run_scoped3A_143 : memref<!tpu.dma_semaphore, #tpu.memory_space<semaphore_mem>>)
      %dma_wait3A_149 = arith.constant 0 : i32
      %dma_wait3A_150 = tpu.memref_slice %arg4[%arg0, %mul3A_19, %dma_wait3A_149] : memref<2x10240x64xf32, #tpu.memory_space<hbm>> -> memref<1x640x64xf32, #tpu.memory_space<hbm>>
      %dma_wait3A_151 = tpu.memref_squeeze %dma_wait3A_150 : memref<1x640x64xf32, #tpu.memory_space<hbm>> -> memref<640x64xf32, #tpu.memory_space<hbm>>
      %dma_wait3A_152 = arith.constant 0 : i32
      %dma_wait3A_153 = tpu.memref_slice %arg7[%mul3A_19, %dma_wait3A_152] : memref<10240x64xf32, #tpu.memory_space<vmem_shared>> -> memref<640x64xf32, #tpu.memory_space<vmem_shared>>
      tpu.wait_dma2 semaphore(%run_scoped3A_143 : memref<!tpu.dma_semaphore, #tpu.memory_space<semaphore_mem>>) src(%dma_wait3A_153 : memref<640x64xf32, #tpu.memory_space<vmem_shared>>) dst(%dma_wait3A_151 : memref<640x64xf32, #tpu.memory_space<hbm>>)
      tpu.yield
    }) : () -> ()
    %eq3A_138 = arith.constant 0 : i32
    %eq3A_139 = arith.cmpi eq, %arg0, %eq3A_138 : i32
    %convert_element_type3A_140 = arith.extui %eq3A_139 : i1 to i32
    %cond3A_141 = arith.constant 0 : i32
    %cond3A_142 = arith.cmpi ne, %convert_element_type3A_140, %cond3A_141 : i32
    scf.if %cond3A_142 {
      "tpu.region"() ({
        %run_scoped3A_143 = tpu.sem_alloc : memref<!tpu.dma_semaphore, #tpu.memory_space<semaphore_mem>>
        %dma_start3A_144 = arith.constant 0 : i32
        %dma_start3A_145 = tpu.memref_slice %arg5[%arg1, %dma_start3A_144] : memref<16x10240xf32, #tpu.memory_space<hbm>> -> memref<1x10240xf32, #tpu.memory_space<hbm>>
        %dma_start3A_146 = tpu.memref_squeeze %dma_start3A_145 : memref<1x10240xf32, #tpu.memory_space<hbm>> -> memref<10240xf32, #tpu.memory_space<hbm>>
        %dma_start3A_147 = arith.constant 0 : i32
        %dma_start3A_148 = tpu.memref_slice %arg5[%arg1, %dma_start3A_147] : memref<16x10240xf32, #tpu.memory_space<hbm>> -> memref<1x10240xf32, #tpu.memory_space<hbm>>
        %dma_start3A_149 = tpu.memref_squeeze %dma_start3A_148 : memref<1x10240xf32, #tpu.memory_space<hbm>> -> memref<10240xf32, #tpu.memory_space<hbm>>
        tpu.enqueue_dma source(%arg14 : memref<10240xf32, #tpu.memory_space<vmem>>) target(%dma_start3A_149 : memref<10240xf32, #tpu.memory_space<hbm>>) target_semaphore(%run_scoped3A_143 : memref<!tpu.dma_semaphore, #tpu.memory_space<semaphore_mem>>)
        %dma_wait3A_150 = arith.constant 0 : i32
        %dma_wait3A_151 = tpu.memref_slice %arg5[%arg1, %dma_wait3A_150] : memref<16x10240xf32, #tpu.memory_space<hbm>> -> memref<1x10240xf32, #tpu.memory_space<hbm>>
        %dma_wait3A_152 = tpu.memref_squeeze %dma_wait3A_151 : memref<1x10240xf32, #tpu.memory_space<hbm>> -> memref<10240xf32, #tpu.memory_space<hbm>>
        %dma_wait3A_153 = arith.constant 0 : i32
        %dma_wait3A_154 = tpu.memref_slice %arg5[%arg1, %dma_wait3A_153] : memref<16x10240xf32, #tpu.memory_space<hbm>> -> memref<1x10240xf32, #tpu.memory_space<hbm>>
        %dma_wait3A_155 = tpu.memref_squeeze %dma_wait3A_154 : memref<1x10240xf32, #tpu.memory_space<hbm>> -> memref<10240xf32, #tpu.memory_space<hbm>>
        tpu.wait_dma2 semaphore(%run_scoped3A_143 : memref<!tpu.dma_semaphore, #tpu.memory_space<semaphore_mem>>) src(%arg14 : memref<10240xf32, #tpu.memory_space<vmem>>) dst(%dma_wait3A_155 : memref<10240xf32, #tpu.memory_space<hbm>>)
        tpu.yield
      }) : () -> ()
    } else {
    }
    return
  }
}

module attributes {stable_mosaic.version = 14 : i64} {
  func.func @_combine_body(%arg0: i32, %arg1: memref<1000x128xf32, #tpu.memory_space<vmem>>, %arg2: memref<2x1000x64xf32, #tpu.memory_space<vmem>>, %arg3: memref<1000x16xf32, #tpu.memory_space<vmem>>, %arg4: memref<1000x256xf32, #tpu.memory_space<vmem>>) attributes {dimension_semantics = [#tpu.dimension_semantics<arbitrary>], iteration_bounds = array<i64: 10>, scalar_prefetch = 0 : i64, scratch_operands = 0 : i64, tpu.core_type = #tpu.core_type<tc>, window_params = [{transform_indices = @transform_0, window_bounds = array<i64: 1000, 128>}, {transform_indices = @transform_1, window_bounds = array<i64: 2, 1000, 64>}, {transform_indices = @transform_2, window_bounds = array<i64: 1000, 16>}, {transform_indices = @transform_3, window_bounds = array<i64: 1000, 256>}]} {
    %get3A = arith.constant 0 : index
    %get3A_0 = arith.constant 0 : index
    %get3A_1 = vector.load %arg1[%get3A, %get3A_0] : memref<1000x128xf32, #tpu.memory_space<vmem>>, vector<1000x128xf32>
    %get3A_2 = arith.constant 0 : index
    %get3A_3 = arith.constant 0 : index
    %get3A_4 = vector.load %arg3[%get3A_2, %get3A_3] : memref<1000x16xf32, #tpu.memory_space<vmem>>, vector<1000x16xf32>
    %reduce_sum3A = arith.constant dense<0.000000e+00> : vector<1000xf32>
    %reduce_sum3A_5 = vector.multi_reduction <add>, %get3A_4, %reduce_sum3A [1] : vector<1000x16xf32> to vector<1000xf32>
    %broadcast_in_dim3A = vector.shape_cast %reduce_sum3A_5 : vector<1000xf32> to vector<1000x1xf32>
    %add3A = arith.constant 1.000000e+00 : f32
    %add3A_6 = vector.broadcast %add3A : f32 to vector<1000x1xf32>
    %add3A_7 = arith.addf %broadcast_in_dim3A, %add3A_6 : vector<1000x1xf32>
    %div3A = arith.constant 1.000000e+00 : f32
    %div3A_8 = vector.broadcast %div3A : f32 to vector<1000x1xf32>
    %div3A_9 = arith.divf %div3A_8, %add3A_7 : vector<1000x1xf32>
    %swap3A = arith.constant 0 : index
    %swap3A_10 = arith.constant 0 : index
    %swap3A_11 = vector.load %arg4[%swap3A, %swap3A_10] : memref<1000x256xf32, #tpu.memory_space<vmem>>, vector<1000x128xf32>
    tpu.vector_store %arg4[%swap3A, %swap3A_10], %get3A_1 {strides = array<i32>} : memref<1000x256xf32, #tpu.memory_space<vmem>>, vector<1000x128xf32>,
    %get3A_12 = arith.constant 0 : index
    %get3A_13 = arith.constant 0 : index
    %get3A_14 = arith.constant 0 : index
    %get3A_15 = vector.load %arg2[%get3A_12, %get3A_13, %get3A_14] : memref<2x1000x64xf32, #tpu.memory_space<vmem>>, vector<1x1000x64xf32>
    %get3A_16 = vector.shape_cast %get3A_15 : vector<1x1000x64xf32> to vector<1000x64xf32>
    %slice3A = vector.extract_strided_slice %get3A_1 {offsets = [0, 0], sizes = [1000, 64], strides = [1, 1]} : vector<1000x128xf32> to vector<1000x64xf32>
    %add3A_17 = arith.addf %get3A_16, %slice3A : vector<1000x64xf32>
    %mul3A = vector.broadcast %div3A_9 : vector<1000x1xf32> to vector<1000x64xf32>
    %mul3A_18 = arith.mulf %add3A_17, %mul3A : vector<1000x64xf32>
    %swap3A_19 = arith.constant 0 : index
    %swap3A_20 = arith.constant 128 : index
    %swap3A_21 = vector.load %arg4[%swap3A_19, %swap3A_20] : memref<1000x256xf32, #tpu.memory_space<vmem>>, vector<1000x64xf32>
    tpu.vector_store %arg4[%swap3A_19, %swap3A_20], %mul3A_18 {strides = array<i32>} : memref<1000x256xf32, #tpu.memory_space<vmem>>, vector<1000x64xf32>,
    %get3A_22 = arith.constant 1 : index
    %get3A_23 = arith.constant 0 : index
    %get3A_24 = arith.constant 0 : index
    %get3A_25 = vector.load %arg2[%get3A_22, %get3A_23, %get3A_24] : memref<2x1000x64xf32, #tpu.memory_space<vmem>>, vector<1x1000x64xf32>
    %get3A_26 = vector.shape_cast %get3A_25 : vector<1x1000x64xf32> to vector<1000x64xf32>
    %slice3A_27 = vector.extract_strided_slice %get3A_1 {offsets = [0, 64], sizes = [1000, 64], strides = [1, 1]} : vector<1000x128xf32> to vector<1000x64xf32>
    %add3A_28 = arith.addf %get3A_26, %slice3A_27 : vector<1000x64xf32>
    %mul3A_29 = vector.broadcast %div3A_9 : vector<1000x1xf32> to vector<1000x64xf32>
    %mul3A_30 = arith.mulf %add3A_28, %mul3A_29 : vector<1000x64xf32>
    %swap3A_31 = arith.constant 0 : index
    %swap3A_32 = arith.constant 192 : index
    %swap3A_33 = vector.load %arg4[%swap3A_31, %swap3A_32] : memref<1000x256xf32, #tpu.memory_space<vmem>>, vector<1000x64xf32>
    tpu.vector_store %arg4[%swap3A_31, %swap3A_32], %mul3A_30 {strides = array<i32>} : memref<1000x256xf32, #tpu.memory_space<vmem>>, vector<1000x64xf32>,
    return
  }
  func.func @transform_0(%arg0: i32) -> (i32, i32) {
    %c0_i32 = arith.constant 0 : i32
    %c0_i32_0 = arith.constant 0 : i32
    return %arg0, %c0_i32 : i32, i32
  }
  func.func @transform_1(%arg0: i32) -> (i32, i32, i32) {
    %c0_i32 = arith.constant 0 : i32
    %c0_i32_0 = arith.constant 0 : i32
    %c0_i32_1 = arith.constant 0 : i32
    return %c0_i32, %arg0, %c0_i32_0 : i32, i32, i32
  }
  func.func @transform_2(%arg0: i32) -> (i32, i32) {
    %c0_i32 = arith.constant 0 : i32
    %c0_i32_0 = arith.constant 0 : i32
    return %arg0, %c0_i32 : i32, i32
  }
  func.func @transform_3(%arg0: i32) -> (i32, i32) {
    %c0_i32 = arith.constant 0 : i32
    %c0_i32_0 = arith.constant 0 : i32
    return %arg0, %c0_i32 : i32, i32
  }
}

</mosaic_0001>

<sc_bundles>
// kernel: kernel.4.cloned.1.call-start
scs
__scs_entry_jumppad:
0x0: {  	(pc) =	sbr.rel $0x88, $3  }
0x1: {  	(tag) =	ssettag $0x0;
	lr =	simm.s32 $0x1  }
0x2: {  	[smem:$0x3F9F] =	sst lr;
	_ =	strace $0xD0000000  }
0x3: {  	_ = 	snop  }
0x4: {  	_ = 	snop  }
0x5: {  	_ = 	snop  }
0x6: {  	_ = 	snop  }
0x7: {  	_ = 	snop  }
__scs_overlays_trampoline_lowered:
0x8: {  	[smem:$0x3FAE] =	sst s0  }
0x9: {  	[smem:$0x3FAF] =	sst s1  }
0xa: {  	[smem:$0x3FB0] =	sst s2  }
0xb: {  	[smem:$0x3FB1] =	sst s3  }
0xc: {  	[smem:$0x3FB2] =	sst s4  }
0xd: {  	[smem:$0x3FB3] =	sst s5  }
0xe: {  	[smem:$0x3FB4] =	sst s6  }
0xf: {  	[smem:$0x3FB5] =	sst s7  }
0x10: {  	[smem:$0x3FB6] =	sst s8  }
0x11: {  	[smem:$0x3FB7] =	sst s9;
	s0 =	simm.s32 @!p0 $0x0  }
0x12: {  	s1 =	sld [smem:$0x3F9D];
	s0 =	simm.s32 @p0 $0x1  }
0x13: {  	[smem:$0x3FB8] =	sst s0;
	s0 =	simm.s32 @!p1 $0x0  }
0x14: {  	s2 =	sld [smem:$0x3F9C];
	s0 =	simm.s32 @p1 $0x1  }
0x15: {  	[smem:$0x3FB9] =	sst s0;
	s0 =	simm.s32 @!p2 $0x0  }
0x16: {  	s3 =	sld [smem:$0x3FDB];
	s0 =	simm.s32 @p2 $0x1  }
0x17: {  	s4 =	simm.s32 $0x1BF5;
	[smem:$0x3FBB] =	sst s0  }
0x18: {  	s0 =	sld [smem:$0x3F9E];
	_ =	swait.ge [sflag:s4], $0x0  }
0x19: {  	s7 =	sld [smem:$0x3F9F]  }
0x1a: {  	s8 =	sadd.s32 $0xFFFFE003, lr  }
0x1b: {  	s9 =	sadd.s32 $0xFFFFFEF7, lr;
	s5 =	simm.s32 $0xFFFFFFFF;
	p2 =	slt.u32 s8, $0xFFFFF086  }
0x1c: {  	p1 =	slt.u32 s9, $0xF7A;
	s5 =	simm.s32 @!p2 $0x0  }
0x1d: {  	s5 =	simm.s32 @p1 $0x1;
	p0 =	seq.s32 s7, s2  }
0x1e: {  	s7 =	smul.u32 @!p0 $0xF7A, s2;
	p2 =	seq.s32 @!p0 s5, $0x0  }
0x1f: {  	s9 =	smul.u32 $0xF7A, s1;
	s8 =	simm.s32 @!p0 $0x1BF5;
	p2 =	por !p2, p0  }
0x20: {  	[sflag:s8] =	ssyncset.s32 @!p0 $0xFFFFF086;
	s6 =	sadd.s32 @!p0 s3, s7;
	s7 =	simm.s32 @!p0 $0x108  }
0x21: {  	s3 =	sadd.s32 s3, s9;
	s6 =	sadd.s32 @!p0 $0x88, s6;
	s7 =	simm.s32 @p2 $0x1082  }
0x22: {  	[simem:s7], [sflag:s8] =	dma.local @!p0 [hbm:s6], $0xF7A  }
0x23: {  	s9 =	sor.u32 $0xD0000000, s2;
	s6 =	simm.s32 $0x108;
	_ =	swait.ge @!p0 [sflag:s8], $0x0  }
0x24: {  	s3 =	sadd.s32 $0x88, s3;
	s6 =	simm.s32 @!p1 $0x1082;
	[sflag:s4] =	ssyncset.s32 $0xFFFFF086  }
0x25: {  	[simem:s6], [sflag:s4] =	dma.local [hbm:s3], $0xF7A  }
0x26: {  	[smem:$0x3F9F] =	sst s1;
	(tag) =	ssettag s2;
	_ =	strace s9  }
0x27: {  	s1 =	sld [smem:$0x3FAF]  }
0x28: {  	s2 =	sld [smem:$0x3FB0]  }
0x29: {  	s4 =	sld [smem:$0x3FB2]  }
0x2a: {  	p0 =	seq.s32 s5, $0x0;
	s5 =	sld [smem:$0x3FB3]  }
0x2b: {  	s6 =	sld [smem:$0x3FB4]  }
0x2c: {  	s7 =	sld [smem:$0x3FB5]  }
0x2d: {  	s3 =	simm.s32 $0x108;
	s8 =	sld [smem:$0x3FB6]  }
0x2e: {  	s3 =	simm.s32 @!p0 $0x1082;
	s9 =	sld [smem:$0x3FB7]  }
0x2f: {  	lr =	sadd.s32 s0, s3;
	s0 =	sld [smem:$0x3FAE]  }
0x30: {  	s3 =	sld [smem:$0x3FB1]  }
0x31: {  	[smem:$0x3FBA] =	sst s10  }
0x32: {  	s10 =	sld [smem:$0x3FB8];
	_ =	sdelay $0x3  }
0x33: {  	p0 =	seq.s32 s10, $0x1;
	s10 =	sld [smem:$0x3FBA];
	_ =	sdelay $0x3  }
0x34: {  	[smem:$0x3FBA] =	sst s10  }
0x35: {  	s10 =	sld [smem:$0x3FB9];
	_ =	sdelay $0x3  }
0x36: {  	p1 =	seq.s32 s10, $0x1;
	s10 =	sld [smem:$0x3FBA];
	_ =	sdelay $0x3  }
0x37: {  	[smem:$0x3FBA] =	sst s10  }
0x38: {  	s10 =	sld [smem:$0x3FBB]  }
0x39: {  	_ = 	snop;
	(pc) =	sbr.ind lr, $3  }
0x3a: {  	_ = 	snop  }
0x3b: {  	_ = 	snop  }
0x3c: {  	p2 =	seq.s32 s10, $0x1;
	s10 =	sld [smem:$0x3FBA]  }
0x3d: {  	_ =	shalt  }
0x3e: {  	_ =	shalt  }
0x3f: {  	_ =	shalt  }
0x40: {  	_ =	shalt  }
0x41: {  	_ =	shalt  }
0x42: {  	_ =	shalt  }
0x43: {  	_ =	shalt  }
0x44: {  	_ =	shalt  }
0x45: {  	_ =	shalt  }
0x46: {  	_ =	shalt  }
0x47: {  	_ =	shalt  }
0x48: {  	_ =	shalt  }
0x49: {  	_ =	shalt  }
0x4a: {  	_ =	shalt  }
0x4b: {  	_ =	shalt  }
0x4c: {  	_ =	shalt  }
0x4d: {  	_ =	shalt  }
0x4e: {  	_ =	shalt  }
0x4f: {  	_ =	shalt  }
0x50: {  	_ =	shalt  }
0x51: {  	_ =	shalt  }
0x52: {  	_ =	shalt  }
0x53: {  	_ =	shalt  }
0x54: {  	_ =	shalt  }
0x55: {  	_ =	shalt  }
0x56: {  	_ =	shalt  }
0x57: {  	_ =	shalt  }
0x58: {  	_ =	shalt  }
0x59: {  	_ =	shalt  }
0x5a: {  	_ =	shalt  }
0x5b: {  	_ =	shalt  }
0x5c: {  	_ =	shalt  }
0x5d: {  	_ =	shalt  }
0x5e: {  	_ =	shalt  }
0x5f: {  	_ =	shalt  }
0x60: {  	_ =	shalt  }
0x61: {  	_ =	shalt  }
0x62: {  	_ =	shalt  }
0x63: {  	_ =	shalt  }
0x64: {  	_ =	shalt  }
0x65: {  	_ =	shalt  }
0x66: {  	_ =	shalt  }
0x67: {  	_ =	shalt  }
0x68: {  	_ =	shalt  }
0x69: {  	_ =	shalt  }
0x6a: {  	_ =	shalt  }
0x6b: {  	_ =	shalt  }
0x6c: {  	_ =	shalt  }
0x6d: {  	_ =	shalt  }
0x6e: {  	_ =	shalt  }
0x6f: {  	_ =	shalt  }
0x70: {  	_ =	shalt  }
0x71: {  	_ =	shalt  }
0x72: {  	_ =	shalt  }
0x73: {  	_ =	shalt  }
0x74: {  	_ =	shalt  }
0x75: {  	_ =	shalt  }
0x76: {  	_ =	shalt  }
0x77: {  	_ =	shalt  }
0x78: {  	_ =	shalt  }
0x79: {  	_ =	shalt  }
0x7a: {  	_ =	shalt  }
0x7b: {  	_ =	shalt  }
0x7c: {  	_ =	shalt  }
0x7d: {  	_ =	shalt  }
0x7e: {  	_ =	shalt  }
0x7f: {  	_ =	shalt  }
0x80: {  	_ =	shalt  }
0x81: {  	_ =	shalt  }
0x82: {  	_ =	shalt  }
0x83: {  	_ =	shalt  }
0x84: {  	_ =	shalt  }
0x85: {  	_ =	shalt  }
0x86: {  	_ =	shalt  }
0x87: {  	_ =	shalt  }
.Lfunc_end0:
.L_simem_size_0:
called_computation_lowered:
.L_overlay_start_0:
0x88: {  	s2 =	sld [smem:$0x3FD9]  }
0x89: {  	s3 =	sld [smem:$0x3FFE];
	_ =	sdelay $0x1  }
0x8a: {  	s1 =	srdreg.scid  }
0x8b: {  	s0 =	sand.u32 $0x1, s1  }
0x8c: {  	s17 =	sshll.u32 s0, $0xA;
	s2 =	sadd.s32 s3, s2  }
0x8d: {  	s2 =	sadd.s32 s2, s17  }
0x8e: {  	[smem:$0x3FC6] =	sst s2  }
0x8f: {  	_ = 	snop  }
0x90: {  	s2 =	sld [smem:$0x3FC9]  }
0x91: {  	s18 =	sld [smem:$0x3FD0];
	(tm) =	ssettm $0x1  }
0x92: {  	s4 =	sld [smem:$0x3FFB];
	_ =	sdelay $0x3  }
0x93: {  	_ =	strace s4  }
0x94: {  	s4 =	sld [smem:$0x3FFC];
	_ =	sdelay $0x3  }
0x95: {  	_ =	strace s4  }
0x96: {  	s4 =	sld [smem:$0x3FFD];
	_ =	sdelay $0x3  }
0x97: {  	_ =	strace s4  }
0x98: {  	_ =	strace $0x8FFFFFFF  }
0x99: {  	s19 =	sld [smem:$0x3FDB];
	_ =	sdelay $0x1  }
0x9a: {  	s5 =	simm.s32 $_scs_section_size  }
0x9b: {  	s6 =	simm.s32 $_size__tile_overlayer_lowered;
	s7 =	simm.s32 $_tile_overlayer_lowered  }
0x9c: {  	s22 =	simm.s32 $0x1BFF;
	s21 =	sshll.u32 s7, $0x1;
	s4 =	sadd.s32 s5, s19  }
0x9d: {  	s8 =	simm.s32 $0x0;
	s20 =	sshll.u32 s6, $0x1;
	s6 =	sadd.s32 s21, s4  }
0x9e: {  	[timem:s8], [sflag:s22] =	dma.local [hbm:s6], s20  }
0x9f: {  	_ =	swait.ge [sflag:s22], s20  }
0xa0: {  	s5 =	ssub.s32 $0x0, s20;
	[sflag:s22] =	ssyncset.done $0x0  }
0xa1: {  	[sflag:s22] =	ssyncadd.s32 s5;
	_ =	sdelay $0x1  }
0xa2: {  	s23 =	simm.s32 $0x1B8B  }
0xa3: {  	_ =	swait.ge [sflag:s23], $0x1  }
0xa4: {  	[sflag:s23] =	ssyncset.done $0x0  }
0xa5: {  	s25 =	simm.s32 $0x1B8E;
	s24 =	sld [smem:$0x3FFE];
	[sflag:s23] =	ssyncadd.s32 $0xFFFFFFFF  }
0xa6: {  	s26 =	simm.s32 $execute0_lowered;
	[smem:$0x3FD2] =	sst s25  }
0xa7: {  	s6 =	sshll.u32 s26, $0x1;
	_ =	strace $0x80000046;
	[dreg:$0x1] =	wrdreg $0xFFFFFFFF  }
0xa8: {  	s28 =	simm.s32 $_size_execute0_lowered;
	s4 =	sadd.s32 s4, s6;
	[dreg:$0x0] =	wrdreg $0x0  }
0xa9: {  	s6 =	sshll.u32 s28, $0x1;
	[dreg:$0x2] =	wrdreg s4  }
0xaa: {  	[dreg:$0x3] =	wrdreg s6  }
0xab: {  	[dreg:$0x4] =	wrdreg $0xC0  }
0xac: {  	_ =	task [dreg:s8], $0x5FFFF  }
0xad: {  	[dreg:$0x1] =	wrdreg $0xFFFFFFFF  }
0xae: {  	[dreg:$0x0] =	wrdreg $0x60  }
0xaf: {  	[dreg:$0x2] =	wrdreg s2  }
0xb0: {  	[dreg:$0x3] =	wrdreg s24  }
0xb1: {  	[dreg:$0x4] =	wrdreg s18  }
0xb2: {  	[dreg:$0x5] =	wrdreg $0x0  }
0xb3: {  	[dreg:$0x6] =	wrdreg $0xA0000  }
0xb4: {  	[dreg:$0x7] =	wrdreg $0x9  }
0xb5: {  	_ =	task.clear_ibuf [dreg:s8], $0x8FFFF;
	_ =	strace $0x90000046  }
0xb6: {  	s29 =	simm.s32 $0x9;
	_ =	strace $0x80000048  }
0xb7: {  	_ =	swait.ge [sflag:s29], $0x1  }
0xb8: {  	[sflag:s29] =	ssyncadd.s32 $0xFFFFFFFF  }
0xb9: {  	_ =	strace $0x90000048  }
0xba: {  	_ =	sfence  }
0xbb: {  	s30 =	sld [smem:$0x0];
	_ =	sdelay $0x2  }
0xbc: {  	s31 =	sshll.u32 s1, $0xD;
	s1 =	sshrl.u32 s1, $0x2  }
0xbd: {  	s3 =	sand.u32 $0x4000, s31;
	s1 =	sadd.s32 s1, s30  }
0xbe: {  	s0 =	sor.u32 s3, s0;
	s1 =	sshll.u32 s1, $0x11  }
0xbf: {  	s0 =	sor.u32 s1, s0  }
0xc0: {  	s0 =	sadd.s32 $0x8F2B, s0  }
0xc1: {  	[sflag:s0] =	ssyncadd.remote.s32 $0x1  }
0xc2: {  	_ =	sfence.sel $0xFFFF  }
0xc3: {  	[dreg:$0x0] =	wrdreg $0xFFFFFFFF;
	(pc) =	sbr.abs _section_cstart, $3  }
0xc4: {  	[dreg:$0x1] =	wrdreg $0xFFFFFFFF  }
0xc5: {  	_ =	task.clear_ibuf [dreg:s8], $0x2FFFF;
	_ =	strace $0x9FFFFFFF  }
0xc6: {  	(tm) =	ssettm $0x7FFFFFFF  }
0xc7: {  	_ =	shalt  }
tec
execute0_lowered:
.L_overlay_start_1:
0x0: {  	(tag) =	ssettag $0x1  }
0x1: {  	s0 =	rddreg [dreg:$0x0]  }
0x2: {  	s5 =	rddreg [dreg:$0x1]  }
0x3: {  	s6 =	rddreg [dreg:$0x2]  }
0x4: {  	s1 =	rddreg [dreg:$0x3];
	s2 =	stileid.u32  }
0x5: {  	s3 =	rddreg [dreg:$0x4];
	s4 =	simm.s32 $0x0;
	s8 =	smul.u32 $0x500, s2  }
0x6: {  	s7 =	srdreg.scid;
	s28 =	simm.s32 $0x14080;
	s11 =	smul.u32 $0x28000, s2  }
0x7: {  	s29 =	simm.s32 $0x14100;
	s30 =	simm.s32 $0x14180;
	s12 =	smul.u32 $0x14000, s2  }
0x8: {  	s31 =	simm.s32 $0x1;
	[smem:$0x7FF] =	sst s4;
	s13 =	smul.u32 $0x4E20, s2  }
0x9: {  	s9 =	sand.u32 $0x1, s7;
	s10 =	sadd.s32 $0x1200, s5;
	s15 =	smul.u32 $0xA000, s2  }
0xa: {  	s16 =	sadd.s32 $0x96000, s1;
	p0 =	seq.s32 s2, $0xF;
	_ =	strace $0x80000047  }
0xb: {  	s7 =	ssub.s32 $0x2, s9;
	s23 =	sshll.u32 s9, $0x6;
	s14 =	sshll.u32 s9, $0x3  }
0xc: {  	s26 =	smul.u32 $0xA0000, s9;
	p1 =	sne.s32 s9, $0x0;
	s9 =	simm.s32 $0x2  }
0xd: {  	s5 =	sadd.s32 s8, s5;
	s22 =	sshrl.u32 s7, $0x1;
	s11 =	sshrl.u32 s11, $0x2  }
0xe: {  	s25 =	sshrl.u32 s13, $0x3;
	s13 =	simm.s32 $0x14380;
	s8 =	ssub.s32 s7, s22  }
0xf: {  	s7 =	sor.u32 s23, s12;
	s24 =	sadd.s32 s11, s3;
	s5 =	sadd.s32 $0x14C00, s5  }
0x10: {  	s12 =	sadd.s32 s11, s1;
	s11 =	sadd.s32 $0x2000, s24;
	[dreg:$0x12] =	wrdreg s5  }
0x11: {  	s20 =	sadd.s32 s15, s26;
	s17 =	sadd.s32 $0x4000, s24;
	[dreg:$0x8] =	wrdreg s11  }
0x12: {  	s7 =	sshrl.u32 s7, $0x3;
	s18 =	sadd.s32 $0x6000, s24;
	[dreg:$0x9] =	wrdreg s17  }
0x13: {  	s26 =	smax.u32 s8, $0x1;
	s5 =	simm.s32 $0x14200;
	[dreg:$0xa] =	wrdreg s18  }
0x14: {  	s8 =	simm.s32 $0x5;
	s7 =	sadd.s32 s0, s7;
	[dreg:$0x13] =	wrdreg s26  }
0x15: {  	s0 =	sadd.s32 s14, s0;
	s11 =	sadd.s32 s10, s25;
	[dreg:$0x6] =	wrdreg s7  }
0x16: {  	s26 =	simm.s32 $0x14000;
	s0 =	sadd.s32 $0x25800, s0;
	[dreg:$0xb] =	wrdreg s11  }
0x17: {  	s14 =	simm.s32 $0x6;
	s19 =	sadd.s32 $0x9C40, s11;
	[dreg:$0x7] =	wrdreg s0  }
0x18: {  	s18 =	simm.s32 $0x0;
	s21 =	sadd.s32 $0x10, s11;
	[dreg:$0xd] =	wrdreg s19  }
0x19: {  	s7 =	sadd.s32 s15, s3;
	s22 =	sadd.s32 $0x9C50, s11;
	[dreg:$0xe] =	wrdreg s21  }
0x1a: {  	s23 =	sadd.s32 $0x9C0, s11;
	s25 =	sadd.s32 $0xA600, s11;
	[dreg:$0xf] =	wrdreg s22  }
0x1b: {  	s15 =	simm.s32 $0x3;
	s0 =	sadd.s32 $0x8000, s24;
	[dreg:$0x10] =	wrdreg s23  }
0x1c: {  	s24 =	smul.u32 $0x9C4, s2;
	[dreg:$0xc] =	wrdreg s0;
	s0 =	sshrl.u32 s20, $0x3  }
0x1d: {  	[dreg:$0x11] =	wrdreg s25;
	s25 =	simm.s32 $0x7;
	s0 =	sadd.s32 s6, s0  }
0x1e: {  	s21 =	sadd.s32 s24, s10;
	s24 =	simm.s32 $0x14400;
	s6 =	simm.s32 $0x14280  }
0x1f: {  	s10 =	simm.s32 $0x16400;
	[dreg:$0x15] =	wrdreg s0;
	s0 =	sshrl.u32 @p0 s16, $0x3  }
0x20: {  	s16 =	simm.s32 $0x4;
	[dreg:$0x14] =	wrdreg s0;
	s0 =	sshrl.u32 @!p0 s12, $0x3  }
0x21: {  	v0 =	vimm.f32 $0.0e+00;
	v1 =	vimm.s32 $0x0;
	v2 =	vimm.s32 $0x2710;
	s12 =	simm.s32 $0x14300;
	[dreg:$0x16] =	wrdreg s0;
	s0 =	simm.s32 $0x80  }
.LBB2_1:
0x22: {  	s19 =	simm.s32 @p0 $0x1;
	s20 =	simm.s32 @p0 $0x8;
	s11 =	rddreg [dreg:$0x7]  }
0x23: {  	s22 =	simm.s32 @p0 $0x10;
	s23 =	simm.s32 @p0 $0x1FC7;
	s17 =	rddreg [dreg:$0x14]  }
0x24: {  	[spmem:s17@s20], [sflag:s23] =	dma.strided @p0 [hbm:s11@s22], $0xC80, s19, $0x8   }
0x25: {  	s19 =	simm.s32 @p0 $0x7  }
0x26: {  	s2 =	stileid.u32;
	_ =	swait.ge @p0 [sflag:s19], $0xC80  }
0x27: {  	s20 =	sshll.u32 @!p0 s2, $0x6;
	s22 =	simm.s32 @!p0 $0x8;
	s2 =	rddreg [dreg:$0x6]  }
0x28: {  	s23 =	simm.s32 @!p0 $0x10;
	[sflag:s19] =	ssyncset.done @p0 $0x0;
	s11 =	rddreg [dreg:$0x16]  }
0x29: {  	[sflag:s19] =	ssyncadd.s32 @p0 $0xFFFFF380;
	s19 =	sor.u32 @!p0 $0x1C07, s20;
	s20 =	simm.s32 @!p0 $0x1  }
0x2a: {  	[spmem:s11@s22], [sflag:s19] =	dma.strided @!p0 [hbm:s2@s23], $0x1400, s20, $0x8   }
0x2b: {  	s19 =	simm.s32 @!p0 $0x7  }
0x2c: {  	_ =	swait.ge @!p0 [sflag:s19], $0x1400  }
0x2d: {  	[sflag:s19] =	ssyncset.done @!p0 $0x0  }
0x2e: {  	[sflag:s19] =	ssyncadd.s32 @!p0 $0xFFFFEC00;
	s19 =	simm.s32 $0x0  }
.LBB2_2:
0x2f: {  	p2 =	sne.s32 s19, $0x7F00  }
.Ltmp0:
0x30: {  	s20 =	sshra.s32 s19, $0x2;
	(pc) =	sbr.rel @p2 .LBB2_2-.Ltmp0, $4  }
0x31: {  	[tilespmem:s20+$0x14400] =	vst v0  }
0x32: {  	[tilespmem:s20+$0x14410] =	vst v0  }
0x33: {  	[tilespmem:s20+$0x14420] =	vst v0  }
0x34: {  	s19 =	sadd.s32 $0x100, s19;
	[tilespmem:s20+$0x14430] =	vst v0  }
0x35: {  	s19 =	simm.s32 $0x40;
	s20 =	simm.s32 $0x0  }
.LBB2_4:
0x36: {  	p2 =	sne.s32 s19, $0x9FC0;
	[tilespmem:s20+$0x18400] =	vst v0;
	s20 =	smov.u32 s19;
	s19 =	sadd.s32 $0x40, s19  }
.Ltmp1:
0x37: {  	(pc) =	sbr.rel @p2 .LBB2_4-.Ltmp1, $2  }
0x38: {  	_ =	sdelay $0x2  }
0x39: {  	s20 =	sshra.s32 s20, $0x2  }
0x3a: {  	[tilespmem:s20+$0x18400] =	vst v0  }
0x3b: {  	[spmem:s7] =	stream.linear.scatter [tilespmem:s24], [sflag:$0x7], $0x2000, $0x38;
	[tilespmem:$0x1AC00] =	vst v63  }
0x3c: {  	_ =	swait.ge [sflag:s25], $0x2000  }
0x3d: {  	[sflag:s25] =	ssyncset.done $0x0  }
0x3e: {  	s2 =	rddreg [dreg:$0x8];
	[sflag:s25] =	ssyncadd.s32 $0xFFFFE000  }
0x3f: {  	[spmem:s2] =	stream.linear.scatter [tilespmem:s24], [sflag:$0x7], $0x2000, $0x38;
	[tilespmem:$0x1AC00] =	vst v63  }
0x40: {  	_ =	swait.ge [sflag:s25], $0x2000  }
0x41: {  	[sflag:s25] =	ssyncset.done $0x0  }
0x42: {  	s22 =	rddreg [dreg:$0x9];
	[sflag:s25] =	ssyncadd.s32 $0xFFFFE000  }
0x43: {  	[spmem:s22] =	stream.linear.scatter [tilespmem:s24], [sflag:$0x7], $0x2000, $0x38;
	[tilespmem:$0x1AC00] =	vst v63  }
0x44: {  	_ =	swait.ge [sflag:s25], $0x2000  }
0x45: {  	[sflag:s25] =	ssyncset.done $0x0  }
0x46: {  	s23 =	rddreg [dreg:$0xa];
	[sflag:s25] =	ssyncadd.s32 $0xFFFFE000  }
0x47: {  	[spmem:s23] =	stream.linear.scatter [tilespmem:s24], [sflag:$0x7], $0x2000, $0x38;
	[tilespmem:$0x1AC00] =	vst v63  }
0x48: {  	_ =	swait.ge [sflag:s25], $0x2000  }
0x49: {  	[sflag:s25] =	ssyncset.done $0x0  }
0x4a: {  	s11 =	rddreg [dreg:$0xc];
	[sflag:s25] =	ssyncadd.s32 $0xFFFFE000  }
0x4b: {  	[spmem:s11] =	stream.linear.scatter [tilespmem:s24], [sflag:$0x7], $0x2000, $0x38;
	[tilespmem:$0x1AC00] =	vst v63  }
0x4c: {  	_ =	swait.ge [sflag:s25], $0x2000  }
0x4d: {  	[sflag:s25] =	ssyncset.done $0x0  }
0x4e: {  	[sflag:s25] =	ssyncadd.s32 $0xFFFFE000  }
0x4f: {  	[bflag:$0x0] =	sbarrier.arrive $0xFFFF  }
0x50: {  	s20 =	simm.s32 $0x0;
	s17 =	rddreg [dreg:$0xb]  }
0x51: {  	[tilespmem:s26], [sflag:$0x1] =	stream.linear.gather [hbm4b:s17+s20], $0x80, $0x38;
	[tilespmem:$0x1AC00] =	vst v63  }
0x52: {  	s19 =	rddreg [dreg:$0xd]  }
0x53: {  	[tilespmem:s28], [sflag:$0x1] =	stream.linear.gather [hbm4b:s19+s20], $0x80, $0x38;
	[tilespmem:$0x1AC00] =	vst v63  }
0x54: {  	s22 =	rddreg [dreg:$0xe]  }
0x55: {  	[tilespmem:s29], [sflag:$0x2] =	stream.linear.gather [hbm4b:s22+s20], $0x80, $0x38;
	[tilespmem:$0x1AC00] =	vst v63  }
0x56: {  	s23 =	rddreg [dreg:$0xf]  }
0x57: {  	[tilespmem:s30], [sflag:$0x2] =	stream.linear.gather [hbm4b:s23+s20], $0x80, $0x38;
	[tilespmem:$0x1AC00] =	vst v63  }
0x58: {  	_ =	swait.ge [sflag:s31], $0x80  }
0x59: {  	[sflag:s31] =	ssyncset.done $0x0  }
0x5a: {  	[sflag:s31] =	ssyncadd.s32 $0xFFFFFF80  }
0x5b: {  	_ =	swait.ge [sflag:s31], $0x80  }
0x5c: {  	[sflag:s31] =	ssyncset.done $0x0  }
0x5d: {  	[sflag:s31] =	ssyncadd.s32 $0xFFFFFF80  }
0x5e: {  	[tilespmem:s24], [sflag:$0x5] =	stream.indirect.gather [spmem:s1], $0x40, s26, s0, $0xb8;
	[tilespmem:$0x1AC00] =	vst v63  }
.LBB2_6:
0x5f: {  	s22 =	sadd.s32 s20, s21  }
0x60: {  	s19 =	sadd.s32 $0x20, s22  }
0x61: {  	[tilespmem:s5], [sflag:$0x3] =	stream.linear.gather [hbm4b:s19+s4], $0x80, $0x38;
	[tilespmem:$0x1AC00] =	vst v63  }
0x62: {  	s23 =	sadd.s32 $0x9C60, s22  }
0x63: {  	[tilespmem:s6], [sflag:$0x3] =	stream.linear.gather [hbm4b:s23+s4], $0x80, $0x38;
	[tilespmem:$0x1AC00] =	vst v63  }
0x64: {  	_ =	swait.ge [sflag:s8], $0x2000  }
0x65: {  	[sflag:s8] =	ssyncset.done $0x0  }
0x66: {  	[sflag:s8] =	ssyncadd.s32 $0xFFFFE000  }
0x67: {  	_ =	swait.ge [sflag:s9], $0x80  }
0x68: {  	[sflag:s9] =	ssyncset.done $0x0  }
0x69: {  	[sflag:s9] =	ssyncadd.s32 $0xFFFFFF80  }
0x6a: {  	_ =	swait.ge [sflag:s9], $0x80  }
0x6b: {  	[sflag:s9] =	ssyncset.done $0x0  }
0x6c: {  	[sflag:s9] =	ssyncadd.s32 $0xFFFFFF80  }
0x6d: {  	[tilespmem:s10], [sflag:$0x6] =	stream.indirect.gather [spmem:s1], $0x40, s29, s0, $0xb8;
	[tilespmem:$0x1AC00] =	vst v63  }
0x6e: {  	_ = 	snop  }
0x6f: {  	[spmem:s3] =	stream.indirect.scatter.add.f32 [tilespmem:s24], [sflag:$0x7], $0x40, s28, s0, $0xb8;
	[tilespmem:$0x1AC00] =	vst v63  }
0x70: {  	_ =	swait.ge [sflag:s25], $0x2000  }
0x71: {  	[sflag:s25] =	ssyncset.done $0x0  }
0x72: {  	[sflag:s25] =	ssyncadd.s32 $0xFFFFE000  }
0x73: {  	v4 =	vld @!p1 [tilespmem:$0x14080];
	_ =	sdelay $0x6  }
0x74: {  	v3 =	vimm.f32 @!p1 $1.000000000e+00;
	s19 =	simm.s32 @!p1 $0x18400  }
0x75: {  	[tilespmem:v4+s19+$0x0] =	vst.idx.add.f32.msk @!p1 $0xffff, v3  }
0x76: {  	v4 =	vld @!p1 [tilespmem:$0x14090];
	_ =	sdelay $0x7  }
0x77: {  	[tilespmem:v4+s19+$0x0] =	vst.idx.add.f32.msk @!p1 $0xffff, v3  }
0x78: {  	v4 =	vld @!p1 [tilespmem:$0x140A0];
	_ =	sdelay $0x7  }
0x79: {  	[tilespmem:v4+s19+$0x0] =	vst.idx.add.f32.msk @!p1 $0xffff, v3  }
0x7a: {  	v4 =	vld @!p1 [tilespmem:$0x140B0];
	_ =	sdelay $0x7  }
0x7b: {  	[tilespmem:v4+s19+$0x0] =	vst.idx.add.f32.msk @!p1 $0xffff, v3  }
0x7c: {  	v4 =	vld @!p1 [tilespmem:$0x140C0];
	_ =	sdelay $0x7  }
0x7d: {  	[tilespmem:v4+s19+$0x0] =	vst.idx.add.f32.msk @!p1 $0xffff, v3  }
0x7e: {  	v4 =	vld @!p1 [tilespmem:$0x140D0];
	_ =	sdelay $0x7  }
0x7f: {  	[tilespmem:v4+s19+$0x0] =	vst.idx.add.f32.msk @!p1 $0xffff, v3  }
0x80: {  	v4 =	vld @!p1 [tilespmem:$0x140E0];
	_ =	sdelay $0x7  }
0x81: {  	[tilespmem:v4+s19+$0x0] =	vst.idx.add.f32.msk @!p1 $0xffff, v3  }
0x82: {  	v4 =	vld @!p1 [tilespmem:$0x140F0];
	_ =	sdelay $0x7  }
0x83: {  	s23 =	sadd.s32 $0x30, s22;
	[tilespmem:v4+s19+$0x0] =	vst.idx.add.f32.msk @!p1 $0xffff, v3  }
0x84: {  	[tilespmem:s12], [sflag:$0x4] =	stream.linear.gather [hbm4b:s23+s4], $0x80, $0x38;
	[tilespmem:$0x1AC00] =	vst v63  }
0x85: {  	s22 =	sadd.s32 $0x9C70, s22  }
0x86: {  	[tilespmem:s13], [sflag:$0x4] =	stream.linear.gather [hbm4b:s22+s4], $0x80, $0x38;
	[tilespmem:$0x1AC00] =	vst v63  }
0x87: {  	_ =	swait.ge [sflag:s14], $0x2000  }
0x88: {  	[sflag:s14] =	ssyncset.done $0x0  }
0x89: {  	[sflag:s14] =	ssyncadd.s32 $0xFFFFE000  }
0x8a: {  	_ =	swait.ge [sflag:s15], $0x80  }
0x8b: {  	[sflag:s15] =	ssyncset.done $0x0  }
0x8c: {  	[sflag:s15] =	ssyncadd.s32 $0xFFFFFF80  }
0x8d: {  	_ =	swait.ge [sflag:s15], $0x80  }
0x8e: {  	[sflag:s15] =	ssyncset.done $0x0  }
0x8f: {  	[sflag:s15] =	ssyncadd.s32 $0xFFFFFF80  }
0x90: {  	[tilespmem:s24], [sflag:$0x5] =	stream.indirect.gather [spmem:s1], $0x40, s5, s0, $0xb8;
	[tilespmem:$0x1AC00] =	vst v63  }
0x91: {  	_ = 	snop  }
0x92: {  	[spmem:s3] =	stream.indirect.scatter.add.f32 [tilespmem:s10], [sflag:$0x7], $0x40, s30, s0, $0xb8;
	[tilespmem:$0x1AC00] =	vst v63  }
0x93: {  	_ =	swait.ge [sflag:s25], $0x2000  }
0x94: {  	[sflag:s25] =	ssyncset.done $0x0  }
0x95: {  	[sflag:s25] =	ssyncadd.s32 $0xFFFFE000  }
0x96: {  	v4 =	vld @!p1 [tilespmem:$0x14180];
	_ =	sdelay $0x7  }
0x97: {  	[tilespmem:v4+s19+$0x0] =	vst.idx.add.f32.msk @!p1 $0xffff, v3  }
0x98: {  	v4 =	vld @!p1 [tilespmem:$0x14190];
	_ =	sdelay $0x7  }
0x99: {  	[tilespmem:v4+s19+$0x0] =	vst.idx.add.f32.msk @!p1 $0xffff, v3  }
0x9a: {  	v4 =	vld @!p1 [tilespmem:$0x141A0];
	_ =	sdelay $0x7  }
0x9b: {  	[tilespmem:v4+s19+$0x0] =	vst.idx.add.f32.msk @!p1 $0xffff, v3  }
0x9c: {  	v4 =	vld @!p1 [tilespmem:$0x141B0];
	_ =	sdelay $0x7  }
0x9d: {  	[tilespmem:v4+s19+$0x0] =	vst.idx.add.f32.msk @!p1 $0xffff, v3  }
0x9e: {  	v4 =	vld @!p1 [tilespmem:$0x141C0];
	_ =	sdelay $0x7  }
0x9f: {  	[tilespmem:v4+s19+$0x0] =	vst.idx.add.f32.msk @!p1 $0xffff, v3  }
0xa0: {  	v4 =	vld @!p1 [tilespmem:$0x141D0];
	_ =	sdelay $0x7  }
0xa1: {  	[tilespmem:v4+s19+$0x0] =	vst.idx.add.f32.msk @!p1 $0xffff, v3  }
0xa2: {  	v4 =	vld @!p1 [tilespmem:$0x141E0];
	_ =	sdelay $0x7  }
0xa3: {  	[tilespmem:v4+s19+$0x0] =	vst.idx.add.f32.msk @!p1 $0xffff, v3  }
0xa4: {  	v4 =	vld @!p1 [tilespmem:$0x141F0];
	_ =	sdelay $0x5  }
0xa5: {  	p2 =	seq.s32 s20, $0x980  }
0xa6: {  	s22 =	sadd.s32 @!p2 s20, s21  }
0xa7: {  	s11 =	simm.s32 @!p2 $0x0;
	s2 =	simm.s32 @!p2 $0x14000;
	s23 =	sadd.s32 @!p2 $0x40, s22;
	[tilespmem:v4+s19+$0x0] =	vst.idx.add.f32.msk @!p1 $0xffff, v3  }
0xa8: {  	[tilespmem:s2], [sflag:$0x1] =	stream.linear.gather @!p2 [hbm4b:s23+s11], $0x80, $0x38;
	[tilespmem:$0x1AC00] =	vst v63  }
0xa9: {  	s2 =	sadd.s32 @!p2 $0x9C80, s22;
	s22 =	simm.s32 @!p2 $0x14080  }
0xaa: {  	[tilespmem:s22], [sflag:$0x1] =	stream.linear.gather @!p2 [hbm4b:s2+s11], $0x80, $0x38;
	[tilespmem:$0x1AC00] =	vst v63  }
0xab: {  	_ =	swait.ge [sflag:s8], $0x2000  }
0xac: {  	[sflag:s8] =	ssyncset.done $0x0  }
0xad: {  	[sflag:s8] =	ssyncadd.s32 $0xFFFFE000  }
0xae: {  	_ =	swait.ge [sflag:s16], $0x80  }
0xaf: {  	[sflag:s16] =	ssyncset.done $0x0  }
0xb0: {  	[sflag:s16] =	ssyncadd.s32 $0xFFFFFF80  }
0xb1: {  	_ =	swait.ge [sflag:s16], $0x80  }
0xb2: {  	[sflag:s16] =	ssyncset.done $0x0  }
0xb3: {  	[sflag:s16] =	ssyncadd.s32 $0xFFFFFF80  }
0xb4: {  	[tilespmem:s10], [sflag:$0x6] =	stream.indirect.gather [spmem:s1], $0x40, s12, s0, $0xb8;
	[tilespmem:$0x1AC00] =	vst v63  }
0xb5: {  	_ = 	snop  }
0xb6: {  	[spmem:s3] =	stream.indirect.scatter.add.f32 [tilespmem:s24], [sflag:$0x7], $0x40, s6, s0, $0xb8;
	[tilespmem:$0x1AC00] =	vst v63  }
0xb7: {  	_ =	swait.ge [sflag:s25], $0x2000  }
0xb8: {  	[sflag:s25] =	ssyncset.done $0x0  }
0xb9: {  	[sflag:s25] =	ssyncadd.s32 $0xFFFFE000  }
0xba: {  	v4 =	vld @!p1 [tilespmem:$0x14280];
	_ =	sdelay $0x7  }
0xbb: {  	[tilespmem:v4+s19+$0x0] =	vst.idx.add.f32.msk @!p1 $0xffff, v3  }
0xbc: {  	v4 =	vld @!p1 [tilespmem:$0x14290];
	_ =	sdelay $0x7  }
0xbd: {  	[tilespmem:v4+s19+$0x0] =	vst.idx.add.f32.msk @!p1 $0xffff, v3  }
0xbe: {  	v4 =	vld @!p1 [tilespmem:$0x142A0];
	_ =	sdelay $0x7  }
0xbf: {  	[tilespmem:v4+s19+$0x0] =	vst.idx.add.f32.msk @!p1 $0xffff, v3  }
0xc0: {  	v4 =	vld @!p1 [tilespmem:$0x142B0];
	_ =	sdelay $0x7  }
0xc1: {  	[tilespmem:v4+s19+$0x0] =	vst.idx.add.f32.msk @!p1 $0xffff, v3  }
0xc2: {  	v4 =	vld @!p1 [tilespmem:$0x142C0];
	_ =	sdelay $0x7  }
0xc3: {  	[tilespmem:v4+s19+$0x0] =	vst.idx.add.f32.msk @!p1 $0xffff, v3  }
0xc4: {  	v4 =	vld @!p1 [tilespmem:$0x142D0];
	_ =	sdelay $0x7  }
0xc5: {  	[tilespmem:v4+s19+$0x0] =	vst.idx.add.f32.msk @!p1 $0xffff, v3  }
0xc6: {  	v4 =	vld @!p1 [tilespmem:$0x142E0];
	_ =	sdelay $0x7  }
0xc7: {  	[tilespmem:v4+s19+$0x0] =	vst.idx.add.f32.msk @!p1 $0xffff, v3  }
0xc8: {  	v4 =	vld @!p1 [tilespmem:$0x142F0];
	_ =	sdelay $0x5  }
0xc9: {  	p2 =	sne.s32 s20, $0x980  }
0xca: {  	s2 =	sadd.s32 @p2 s20, s21  }
0xcb: {  	s22 =	simm.s32 @p2 $0x0;
	s23 =	simm.s32 @p2 $0x14100;
	s11 =	sadd.s32 @p2 $0x50, s2;
	[tilespmem:v4+s19+$0x0] =	vst.idx.add.f32.msk @!p1 $0xffff, v3  }
0xcc: {  	[tilespmem:s23], [sflag:$0x2] =	stream.linear.gather @p2 [hbm4b:s11+s22], $0x80, $0x38;
	[tilespmem:$0x1AC00] =	vst v63  }
0xcd: {  	s2 =	sadd.s32 @p2 $0x9C90, s2;
	s11 =	simm.s32 @p2 $0x14180  }
0xce: {  	[tilespmem:s11], [sflag:$0x2] =	stream.linear.gather @p2 [hbm4b:s2+s22], $0x80, $0x38;
	[tilespmem:$0x1AC00] =	vst v63  }
0xcf: {  	s2 =	simm.s32 @p2 $0x6  }
0xd0: {  	_ =	swait.ge @p2 [sflag:s2], $0x2000  }
0xd1: {  	[sflag:s2] =	ssyncset.done @p2 $0x0  }
0xd2: {  	[sflag:s2] =	ssyncadd.s32 @p2 $0xFFFFE000;
	s2 =	simm.s32 @p2 $0x1  }
0xd3: {  	_ =	swait.ge @p2 [sflag:s2], $0x80  }
0xd4: {  	[sflag:s2] =	ssyncset.done @p2 $0x0  }
0xd5: {  	[sflag:s2] =	ssyncadd.s32 @p2 $0xFFFFFF80  }
0xd6: {  	_ =	swait.ge @p2 [sflag:s2], $0x80  }
0xd7: {  	s11 =	simm.s32 @p2 $0x14000;
	[sflag:s2] =	ssyncset.done @p2 $0x0  }
0xd8: {  	s22 =	simm.s32 @p2 $0x14400;
	[sflag:s2] =	ssyncadd.s32 @p2 $0xFFFFFF80;
	s2 =	simm.s32 @p2 $0x80  }
0xd9: {  	[tilespmem:s22], [sflag:$0x5] =	stream.indirect.gather @p2 [spmem:s1], $0x40, s11, s2, $0xb8;
	[tilespmem:$0x1AC00] =	vst v63  }
0xda: {  	s2 =	simm.s32 @!p2 $0x6  }
0xdb: {  	_ =	swait.ge @!p2 [sflag:s2], $0x2000  }
0xdc: {  	[sflag:s2] =	ssyncset.done @!p2 $0x0  }
0xdd: {  	[sflag:s2] =	ssyncadd.s32 @!p2 $0xFFFFE000  }
0xde: {  	[spmem:s3] =	stream.indirect.scatter.add.f32 [tilespmem:s10], [sflag:$0x7], $0x40, s13, s0, $0xb8;
	[tilespmem:$0x1AC00] =	vst v63  }
0xdf: {  	_ =	swait.ge [sflag:s25], $0x2000  }
0xe0: {  	[sflag:s25] =	ssyncset.done $0x0  }
0xe1: {  	[sflag:s25] =	ssyncadd.s32 $0xFFFFE000  }
0xe2: {  	v4 =	vld @!p1 [tilespmem:$0x14380];
	_ =	sdelay $0x7  }
0xe3: {  	[tilespmem:v4+s19+$0x0] =	vst.idx.add.f32.msk @!p1 $0xffff, v3  }
0xe4: {  	v4 =	vld @!p1 [tilespmem:$0x14390];
	_ =	sdelay $0x7  }
0xe5: {  	[tilespmem:v4+s19+$0x0] =	vst.idx.add.f32.msk @!p1 $0xffff, v3  }
0xe6: {  	v4 =	vld @!p1 [tilespmem:$0x143A0];
	_ =	sdelay $0x7  }
0xe7: {  	[tilespmem:v4+s19+$0x0] =	vst.idx.add.f32.msk @!p1 $0xffff, v3  }
0xe8: {  	v4 =	vld @!p1 [tilespmem:$0x143B0];
	_ =	sdelay $0x7  }
0xe9: {  	[tilespmem:v4+s19+$0x0] =	vst.idx.add.f32.msk @!p1 $0xffff, v3  }
0xea: {  	v4 =	vld @!p1 [tilespmem:$0x143C0];
	_ =	sdelay $0x7  }
0xeb: {  	[tilespmem:v4+s19+$0x0] =	vst.idx.add.f32.msk @!p1 $0xffff, v3  }
0xec: {  	v4 =	vld @!p1 [tilespmem:$0x143D0];
	_ =	sdelay $0x7  }
0xed: {  	[tilespmem:v4+s19+$0x0] =	vst.idx.add.f32.msk @!p1 $0xffff, v3  }
0xee: {  	v4 =	vld @!p1 [tilespmem:$0x143E0];
	_ =	sdelay $0x7  }
0xef: {  	[tilespmem:v4+s19+$0x0] =	vst.idx.add.f32.msk @!p1 $0xffff, v3  }
0xf0: {  	v4 =	vld @!p1 [tilespmem:$0x143F0];
	_ =	sdelay $0x1  }
0xf1: {  	s20 =	sadd.s32 $0x40, s20  }
0xf2: {  	p2 =	sne.s32 s20, $0x9C0  }
.Ltmp2:
0xf3: {  	_ = 	snop;
	(pc) =	sbr.rel @p2 .LBB2_6-.Ltmp2, $2  }
0xf4: {  	_ =	sdelay $0x2  }
0xf5: {  	[tilespmem:v4+s19+$0x0] =	vst.idx.add.f32.msk @!p1 $0xffff, v3  }
0xf6: {  	s2 =	rddreg [dreg:$0x10]  }
0xf7: {  	[tilespmem:s26], [sflag:$0x7] =	stream.linear.gather [hbm4b:s2+s4], $0x20, $0x38;
	[tilespmem:$0x1AC00] =	vst v63  }
0xf8: {  	_ =	swait.ge [sflag:s25], $0x20  }
0xf9: {  	[sflag:s25] =	ssyncset.done $0x0  }
0xfa: {  	s22 =	rddreg [dreg:$0x11];
	[sflag:s25] =	ssyncadd.s32 $0xFFFFFFE0  }
0xfb: {  	[tilespmem:s28], [sflag:$0x7] =	stream.linear.gather [hbm4b:s22+s4], $0x20, $0x38;
	[tilespmem:$0x1AC00] =	vst v63  }
0xfc: {  	_ =	swait.ge [sflag:s25], $0x20  }
0xfd: {  	[sflag:s25] =	ssyncset.done $0x0  }
0xfe: {  	[sflag:s25] =	ssyncadd.s32 $0xFFFFFFE0  }
0xff: {  	[tilespmem:$0x14020] =	vst v1  }
0x100: {  	[tilespmem:$0x140A0] =	vst v2  }
0x101: {  	[tilespmem:$0x14030] =	vst v1  }
0x102: {  	[tilespmem:$0x140B0] =	vst v2  }
0x103: {  	[tilespmem:$0x14040] =	vst v1  }
0x104: {  	[tilespmem:$0x140C0] =	vst v2  }
0x105: {  	[tilespmem:$0x14050] =	vst v1  }
0x106: {  	[tilespmem:$0x140D0] =	vst v2  }
0x107: {  	[tilespmem:$0x14060] =	vst v1  }
0x108: {  	[tilespmem:$0x140E0] =	vst v2  }
0x109: {  	[tilespmem:$0x14070] =	vst v1  }
0x10a: {  	[tilespmem:$0x140F0] =	vst v2  }
0x10b: {  	[tilespmem:s24], [sflag:$0x7] =	stream.indirect.gather [spmem:s1], $0x40, s26, s0, $0xb8;
	[tilespmem:$0x1AC00] =	vst v63  }
0x10c: {  	_ =	swait.ge [sflag:s25], $0x2000  }
0x10d: {  	[sflag:s25] =	ssyncset.done $0x0  }
0x10e: {  	[sflag:s25] =	ssyncadd.s32 $0xFFFFE000  }
0x10f: {  	[spmem:s3] =	stream.indirect.scatter.add.f32 [tilespmem:s24], [sflag:$0x7], $0x40, s28, s0, $0xb8;
	[tilespmem:$0x1AC00] =	vst v63  }
0x110: {  	_ =	swait.ge [sflag:s25], $0x2000  }
0x111: {  	[sflag:s25] =	ssyncset.done $0x0  }
0x112: {  	s20 =	stileid.u32;
	[sflag:s25] =	ssyncadd.s32 $0xFFFFE000  }
0x113: {  	s2 =	sshll.u32 @p1 s20, $0x6;
	[bflag:$0x0] =	sbarrier.arrive @p1 $0xFFFF  }
0x114: {  	s11 =	sshrl.u32 @p1 s7, $0x3;
	s2 =	sor.u32 @p1 $0x1C07, s2;
	s17 =	rddreg [dreg:$0x15]  }
0x115: {  	[hbm:s17], [sflag:s2] =	dma.local @p1 [spmem:s11], $0x1400  }
0x116: {  	s2 =	simm.s32 @p1 $0x7  }
0x117: {  	_ =	swait.ge @p1 [sflag:s2], $0x1400  }
0x118: {  	[sflag:s2] =	ssyncset.done @p1 $0x0  }
0x119: {  	[sflag:s2] =	ssyncadd.s32 @p1 $0xFFFFEC00  }
0x11a: {  	v4 =	vld @!p1 [tilespmem:$0x14080];
	_ =	sdelay $0x7  }
0x11b: {  	[tilespmem:v4+s19+$0x0] =	vst.idx.add.f32.msk @!p1 $0xffff, v3  }
0x11c: {  	v4 =	vld @!p1 [tilespmem:$0x14090];
	_ =	sdelay $0x7  }
0x11d: {  	s2 =	sshll.u32 @!p1 s20, $0x6;
	[tilespmem:v4+s19+$0x0] =	vst.idx.add.f32.msk @!p1 $0xffff, v3  }
0x11e: {  	s11 =	sshrl.u32 @!p1 s7, $0x3;
	s2 =	sor.u32 @!p1 $0x1C07, s2;
	[bflag:$0x0] =	sbarrier.arrive @!p1 $0xFFFF  }
0x11f: {  	[hbm:s17], [sflag:s2] =	dma.local @!p1 [spmem:s11], $0x1400  }
0x120: {  	s2 =	simm.s32 @!p1 $0x7  }
0x121: {  	_ =	swait.ge @!p1 [sflag:s2], $0x1400  }
0x122: {  	[sflag:s2] =	ssyncset.done @!p1 $0x0  }
0x123: {  	s11 =	simm.s32 @!p1 $0x0;
	s22 =	rddreg [dreg:$0x12];
	[sflag:s2] =	ssyncadd.s32 @!p1 $0xFFFFEC00  }
0x124: {  	[hbm4b:s22+s11] =	stream.linear.scatter @!p1 [tilespmem:s19], [sflag:$0x7], $0x2800, $0x38;
	[tilespmem:$0x1AC00] =	vst v63  }
0x125: {  	_ =	swait.ge @!p1 [sflag:s2], $0x2800  }
0x126: {  	s18 =	sadd.s32 $0x1, s18;
	s23 =	rddreg [dreg:$0x13]  }
0x127: {  	p2 =	sne.s32 s18, s23  }
.Ltmp3:
0x128: {  	_ = 	snop;
	(pc) =	sbr.rel @p2 .LBB2_1-.Ltmp3, $3  }
0x129: {  	_ =	sdelay $0x1  }
0x12a: {  	[sflag:s2] =	ssyncset.done @!p1 $0x0  }
0x12b: {  	[sflag:s2] =	ssyncadd.s32 @!p1 $0xFFFFD800  }
0x12c: {  	_ =	sfence.sel $0x180000  }
0x12d: {  	[bflag:$0x0] =	sbarrier.arrive $0xFFFF  }
0x12e: {  	_ =	strace $0x90000047  }
0x12f: {  	[bflag:$0x2] =	sbarrier.arrive $0xFFFF  }
0x130: {  	p0 =	sne.s32 s20, $0x0;
	s0 =	rddreg [dreg:$0x5]  }
0x131: {  	s0 =	sadd.s32 @!p0 $0x100000, s0  }
0x132: {  	[sflag:s0] =	ssyncadd.tile.s32 @!p0 $0x1;
	_ =	shalt  }
.Lfunc_end2:
_tile_overlayer_lowered:
.L_overlay_start_2:
0x133: {  	(tag) =	ssettag $0x2  }
0x134: {  	s0 =	rddreg [dreg:$0x0];
	s2 =	stileid.u32  }
0x135: {  	s1 =	rddreg [dreg:$0x1];
	p0 =	sne.s32 s2, $0x0  }
0x136: {  	s3 =	rddreg [dreg:$0x2];
	[bflag:$0x3] =	sbarrier.arrive $0xFFFF;
	s2 =	simm.s32 @!p0 $0x1C07  }
0x137: {  	[timem:s3], [sflag:s2] =	dma.local @!p0 [hbm:s0], s1  }
0x138: {  	s0 =	simm.s32 @!p0 $0x7  }
0x139: {  	_ =	swait.ge @!p0 [sflag:s0], s1  }
0x13a: {  	s1 =	ssub.s32 @!p0 $0x0, s1;
	[sflag:s0] =	ssyncset.done @!p0 $0x0  }
0x13b: {  	[sflag:s0] =	ssyncadd.s32 @!p0 s1  }
0x13c: {  	[bflag:$0x3] =	sbarrier.arrive $0xFFFF  }
0x13d: {  	_ =	shalt  }

</sc_bundles>
